<compile_context>
chip_gen: v7x
topology: tpu7x:2x2x1
jax: 0.10.2.dev20260603
libtpu: 0.0.44.dev20260713+nightly
codegen_flags: <defaults>
</compile_context>

<pallas_src>
import functools

import jax
import jax.numpy as jnp
from jax import lax
from jax.experimental import pallas as pl
from jax.experimental.pallas import tpu as pltpu
from jax.experimental.pallas import tpu_sc as plsc

N_NODES = 10000
NP = 10112
E_PAD = 163840
ER = E_PAD // 128
CHUNK = 128
D = 256
DH = 128
DQ = 64
NQ = 4
NC, NS = 2, 16
NPA = 10016
RPT = NPA // NS
BN = 256
GRID_N = (NP + BN - 1) // BN

_mesh = plsc.VectorSubcoreMesh(
    core_axis_name="c", subcore_axis_name="s", num_cores=NC, num_subcores=NS
)


@functools.partial(
    pl.kernel,
    out_type=[
        jax.ShapeDtypeStruct((NC, NP, 16), jnp.float32),
        jax.ShapeDtypeStruct((NC, NP, 16), jnp.float32),
    ],
    mesh=_mesh,
    scratch_types=[
        pltpu.VMEM((ER // (NC * NS), 128), jnp.int32),
        pltpu.VMEM((ER // (NC * NS), 128), jnp.int32),
        pltpu.VMEM((RPT, 16), jnp.float32),
        pltpu.VMEM((CHUNK, 16), jnp.float32),
        pltpu.VMEM_SHARED((NPA, 16), jnp.float32),
    ],
    compiler_params=pltpu.CompilerParams(use_tc_tiling_on_sc=False),
)
def _deg_kernel(src_hbm, dst_hbm, sp_hbm, dp_hbm, sidx, didx, zb, ones, hist):
    c = lax.axis_index("c")
    s = lax.axis_index("s")
    wid = s * NC + c
    rows_per_tile = ER // (NC * NS)

    z16 = jnp.zeros((16,), jnp.float32)
    o16 = jnp.ones((16,), jnp.float32)

    def fill_z(i, _):
        zb[i, :] = z16
        return 0

    lax.fori_loop(0, RPT, fill_z, 0)

    def fill_o(i, _):
        ones[i, :] = o16
        return 0

    lax.fori_loop(0, CHUNK, fill_o, 0)

    row0 = s * RPT
    pltpu.sync_copy(src_hbm.at[pl.ds(wid * rows_per_tile, rows_per_tile)], sidx)
    pltpu.sync_copy(dst_hbm.at[pl.ds(wid * rows_per_tile, rows_per_tile)], didx)

    for idxv, out in ((sidx, sp_hbm), (didx, dp_hbm)):
        pltpu.sync_copy(zb, hist.at[pl.ds(row0, RPT)])
        plsc.subcore_barrier()

        def body(j, _, idxv=idxv):
            pltpu.sync_copy(ones, hist.at[idxv.at[j]], add=True)
            return 0

        lax.fori_loop(0, rows_per_tile, body, 0)
        plsc.subcore_barrier()
        pltpu.sync_copy(hist.at[pl.ds(row0, RPT)], out.at[c, pl.ds(row0, RPT)])
        plsc.subcore_barrier()


_agg_scratch = [
    pltpu.VMEM((ER // NS, 128), jnp.int32),
    pltpu.VMEM((ER // NS, 128), jnp.int32),
    pltpu.VMEM((RPT, DQ), jnp.float32),
    [pltpu.VMEM((CHUNK, DQ), jnp.float32)] * 2,
    [pltpu.SemaphoreType.DMA] * 2,
    pltpu.VMEM_SHARED((NPA, DQ), jnp.float32),
]


def _agg_body(xs_hbm, srcc_hbm, dst_hbm, out_hbm, sidx, didx, zb, rowsb,
              semg, acc):
    c = lax.axis_index("c")
    s = lax.axis_index("s")
    rows_per_tile = ER // NS
    row0 = s * RPT

    z16 = jnp.zeros((16,), jnp.float32)

    def fill_z(i, _):
        for k in range(DQ // 16):
            zb[i, pl.ds(k * 16, 16)] = z16
        return 0

    lax.fori_loop(0, RPT, fill_z, 0)

    pltpu.sync_copy(dst_hbm.at[pl.ds(s * rows_per_tile, rows_per_tile)], didx)

    for p in range(2):
        q = c * 2 + p
        pltpu.sync_copy(zb, acc.at[pl.ds(row0, RPT)])
        pltpu.sync_copy(
            srcc_hbm.at[q, pl.ds(s * rows_per_tile, rows_per_tile)], sidx
        )
        plsc.subcore_barrier()

        NB = 2
        for b in range(NB):
            pltpu.async_copy(xs_hbm.at[sidx.at[b]], rowsb[b], semg[b])

        def body(g, _):
            j0 = NB * g
            for b in range(NB):
                j = j0 + b
                pltpu.make_async_copy(
                    xs_hbm.at[sidx.at[j]], rowsb[b], semg[b]
                ).wait()
                pltpu.sync_copy(rowsb[b], acc.at[didx.at[j]], add=True)

                @pl.when(g < rows_per_tile // NB - 1)
                def _():
                    pltpu.async_copy(
                        xs_hbm.at[sidx.at[j + NB]], rowsb[b], semg[b]
                    )
            return 0

        lax.fori_loop(0, rows_per_tile // NB, body, 0)
        plsc.subcore_barrier()

        pltpu.sync_copy(acc.at[pl.ds(row0, RPT)], out_hbm.at[q, pl.ds(row0, RPT)])


_agg_kernel = pl.kernel(
    _agg_body,
    out_type=jax.ShapeDtypeStruct((NQ, NP, DQ), jnp.float32),
    mesh=_mesh,
    scratch_types=_agg_scratch,
    compiler_params=pltpu.CompilerParams(use_tc_tiling_on_sc=False),
    name="agg",
)


def _prep_body(x_ref, ds_ref, dd_ref, xs_ref, di_ref, do_ref):
    do = lax.rsqrt(jnp.maximum(ds_ref[...], 1.0))
    di = lax.rsqrt(jnp.maximum(dd_ref[...], 1.0))
    do_ref[...] = do
    di_ref[...] = di
    xs = x_ref[...] * do
    for q in range(NQ):
        xs_ref[q] = xs[:, q * DQ:(q + 1) * DQ]


def _prep_call(x, deg_s, deg_d):
    return pl.pallas_call(
        _prep_body,
        grid=(GRID_N,),
        in_specs=[
            pl.BlockSpec((BN, D), lambda i: (i, 0)),
            pl.BlockSpec((BN, 1), lambda i: (i, 0)),
            pl.BlockSpec((BN, 1), lambda i: (i, 0)),
        ],
        out_specs=[
            pl.BlockSpec((NQ, BN, DQ), lambda i: (0, i, 0)),
            pl.BlockSpec((BN, 1), lambda i: (i, 0)),
            pl.BlockSpec((BN, 1), lambda i: (i, 0)),
        ],
        out_shape=[
            jax.ShapeDtypeStruct((NQ, NP, DQ), jnp.float32),
            jax.ShapeDtypeStruct((NP, 1), jnp.float32),
            jax.ShapeDtypeStruct((NP, 1), jnp.float32),
        ],
    )(x, deg_s, deg_d)


def _mid_body(a_ref, di_ref, do_ref, w_ref, b_ref, o_ref):
    di = di_ref[...]
    r = b_ref[...].astype(jnp.float32)
    for q in range(NQ):
        r = r + jnp.dot(
            a_ref[q] * di,
            w_ref[q * DQ:(q + 1) * DQ, :],
            preferred_element_type=jnp.float32,
        )
    h = jnp.maximum(r, 0.0) * do_ref[...]
    for q in range(NQ):
        o_ref[q] = h[:, q * DQ:(q + 1) * DQ]


def _mid_call(agg, di, do, W, b):
    return pl.pallas_call(
        _mid_body,
        grid=(GRID_N,),
        in_specs=[
            pl.BlockSpec((NQ, BN, DQ), lambda i: (0, i, 0)),
            pl.BlockSpec((BN, 1), lambda i: (i, 0)),
            pl.BlockSpec((BN, 1), lambda i: (i, 0)),
            pl.BlockSpec((D, D), lambda i: (0, 0)),
            pl.BlockSpec((1, D), lambda i: (0, 0)),
        ],
        out_specs=pl.BlockSpec((NQ, BN, DQ), lambda i: (0, i, 0)),
        out_shape=jax.ShapeDtypeStruct((NQ, NP, DQ), jnp.float32),
    )(agg, di, do, W, b)


def _final_body(a_ref, di_ref, w_ref, b_ref, o_ref):
    di = di_ref[...]
    r = b_ref[...].astype(jnp.float32)
    for q in range(NQ):
        r = r + jnp.dot(
            a_ref[q] * di,
            w_ref[q * DQ:(q + 1) * DQ, :],
            preferred_element_type=jnp.float32,
        )
    o_ref[...] = r


def _final_call(agg, di, W, b):
    return pl.pallas_call(
        _final_body,
        grid=(GRID_N,),
        in_specs=[
            pl.BlockSpec((NQ, BN, DQ), lambda i: (0, i, 0)),
            pl.BlockSpec((BN, 1), lambda i: (i, 0)),
            pl.BlockSpec((D, D), lambda i: (0, 0)),
            pl.BlockSpec((1, D), lambda i: (0, 0)),
        ],
        out_specs=pl.BlockSpec((BN, D), lambda i: (i, 0)),
        out_shape=jax.ShapeDtypeStruct((N_NODES, D), jnp.float32),
    )(agg, di, W, b)


def kernel(features, edge_index, W1, b1, W2, b2):
    src = edge_index[0].astype(jnp.int32)
    dst = edge_index[1].astype(jnp.int32)
    padn = E_PAD - src.shape[0]
    fill = jnp.full((padn,), N_NODES, jnp.int32)
    src2 = jnp.concatenate([src, fill]).reshape(ER, 128)
    dst2 = jnp.concatenate([dst, fill]).reshape(ER, 128)
    src_cat = jnp.stack([src2 + q * NP for q in range(NQ)])

    sp, dp = _deg_kernel(src2, dst2)
    deg_s = (sp[0, :, 0] + sp[1, :, 0]).reshape(NP, 1)
    deg_d = (dp[0, :, 0] + dp[1, :, 0]).reshape(NP, 1)
    xs, di, do = _prep_call(features, deg_s, deg_d)
    agg1 = _agg_kernel(xs.reshape(NQ * NP, DQ), src_cat, dst2)
    h1 = _mid_call(agg1, di, do, W1, b1.reshape(1, D))
    agg2 = _agg_kernel(h1.reshape(NQ * NP, DQ), src_cat, dst2)
    return _final_call(agg2, di, W2, b2.reshape(1, D))

# --- scband reference (transcript-rebuilt; emitter-appended) ---
"""Pipeline reference for scband-gcn-50448685859066 (READ-ONLY COPY).

The authoritative reference and input builder live on the scoring server;
editing this copy changes nothing except your own understanding.
"""

import jax, jax.numpy as jnp
import numpy as np

N_NODES = 10000
N_EDGES = 160000
D_IN = 256
HIDDEN = [256, 256]


def setup_inputs(seed: int = 0) -> dict:
    key = jax.random.key(seed)
    k_x, k_e, k_w1, k_b1, k_w2, k_b2 = jax.random.split(key, 6)
    features = jax.random.normal(k_x, (N_NODES, D_IN), dtype=jnp.float32)
    edge_index = jax.random.randint(k_e, (2, N_EDGES), 0, N_NODES, dtype=jnp.int64)
    # GraphConv layer weights (xavier-like scale) and biases
    W1 = jax.random.normal(k_w1, (D_IN, HIDDEN[0]), dtype=jnp.float32) * (1.0 / np.sqrt(D_IN))
    b1 = jnp.zeros((HIDDEN[0],), dtype=jnp.float32)
    W2 = jax.random.normal(k_w2, (HIDDEN[0], HIDDEN[1]), dtype=jnp.float32) * (1.0 / np.sqrt(HIDDEN[0]))
    b2 = jnp.zeros((HIDDEN[1],), dtype=jnp.float32)
    return {"features": features, "edge_index": edge_index, "W1": W1, "b1": b1, "W2": W2, "b2": b2}


def _graph_conv_both(h, src, dst, W, b, n_nodes):
    # DGL GraphConv with norm='both', allow_zero_in_degree=True.
    # src-side normalization: out-degree^{-1/2}
    out_deg = jnp.bincount(src, length=n_nodes).astype(h.dtype)
    out_deg = jnp.clip(out_deg, 1.0, None)
    h = h * (out_deg ** -0.5)[:, None]
    # in_feats == out_feats -> aggregate first, then apply weight (DGL branch)
    msg = jnp.take(h, src, axis=0)
    agg = jnp.zeros((n_nodes, h.shape[1]), dtype=h.dtype).at[dst].add(msg)
    in_deg = jnp.bincount(dst, length=n_nodes).astype(h.dtype)
    in_deg = jnp.clip(in_deg, 1.0, None)
    agg = agg * (in_deg ** -0.5)[:, None]
    return agg @ W + b


def reference(features, edge_index, W1, b1, W2, b2):
    src = edge_index[0]
    dst = edge_index[1]
    n = features.shape[0]
    # layer 0: conv -> identity norm -> ReLU
    h = _graph_conv_both(features, src, dst, W1, b1, n)
    h = jax.nn.relu(h)
    # layer 1 (last, encoder_mode=False): conv only; dropout p=0.0 is a no-op
    h = _graph_conv_both(h, src, dst, W2, b2, n)
    return h

if __name__ == "__main__":
    import jax
    _d = setup_inputs()
    print(jax.jit(kernel)(*tuple(_d.values())))

</pallas_src>

<mosaic_0001>
#map = affine_map<(d0, d1) -> (0, 0)>
#map1 = affine_map<(d0, d1) -> (0, 0, 0)>
module attributes {stable_mosaic.version = 14 : i64} {
  func.func @_deg_kernel(%arg0: i32, %arg1: i32, %arg2: memref<1280x128xi32, #tpu.memory_space<hbm>>, %arg3: memref<1280x128xi32, #tpu.memory_space<hbm>>, %arg4: memref<2x10112x16xf32, #tpu.memory_space<hbm>>, %arg5: memref<2x10112x16xf32, #tpu.memory_space<hbm>>, %arg6: memref<40x128xi32, #tpu.memory_space<vmem>>, %arg7: memref<40x128xi32, #tpu.memory_space<vmem>>, %arg8: memref<626x16xf32, #tpu.memory_space<vmem>>, %arg9: memref<128x16xf32, #tpu.memory_space<vmem>>, %arg10: memref<10016x16xf32, #tpu.memory_space<vmem_shared>>) attributes {dimension_semantics = [#tpu.dimension_semantics<core_parallel>, #tpu.dimension_semantics<subcore_parallel>], iteration_bounds = array<i64: 2, 16>, scalar_prefetch = 0 : i64, scratch_operands = 5 : i64, tpu.core_type = #tpu.core_type<sc_vector_subcore>, window_params = [{transform_indices = #map}, {transform_indices = #map}, {transform_indices = #map1}, {transform_indices = #map1}]} {
    %mul3A = arith.constant 2 : i32
    %mul3A_0 = arith.muli %arg1, %mul3A : i32
    %add3A = arith.addi %mul3A_0, %arg0 : i32
    %broadcast_in_dim3A = arith.constant 0.000000e+00 : f32
    %broadcast_in_dim3A_1 = vector.broadcast %broadcast_in_dim3A : f32 to vector<16xf32>
    %broadcast_in_dim3A_2 = arith.constant 1.000000e+00 : f32
    %broadcast_in_dim3A_3 = vector.broadcast %broadcast_in_dim3A_2 : f32 to vector<16xf32>
    %scan3A = arith.constant 0 : i32
    %scan3A_4 = arith.constant 0 : i32
    %scan3A_5 = arith.constant 626 : i32
    %scan3A_6 = arith.addi %scan3A_4, %scan3A_5 : i32
    %scan3A_7 = arith.constant 1 : i32
    %scan3A_8 = scf.for %scan3A_42 = %scan3A_4 to %scan3A_6 step %scan3A_7 iter_args(%scan3A_43 = %scan3A) -> (i32)  : i32 {
      %swap3A = arith.index_cast %scan3A_42 : i32 to index
      %swap3A_44 = arith.constant 0 : index
      %swap3A_45 = tpu.vector_load %arg8[%swap3A, %swap3A_44] {strides = array<i32>} : memref<626x16xf32, #tpu.memory_space<vmem>>, vector<1x16xf32>,
      %swap3A_46 = vector.shape_cast %swap3A_45 : vector<1x16xf32> to vector<16xf32>
      %swap3A_47 = vector.shape_cast %broadcast_in_dim3A_1 : vector<16xf32> to vector<1x16xf32>
      tpu.vector_store %arg8[%swap3A, %swap3A_44], %swap3A_47 {strides = array<i32>} : memref<626x16xf32, #tpu.memory_space<vmem>>, vector<1x16xf32>,
      %scan3A_48 = arith.constant 0 : i32
      scf.yield %scan3A_48 : i32
    }
    %scan3A_9 = arith.constant 626 : i32
    %scan3A_10 = arith.constant 0 : i32
    %scan3A_11 = arith.constant 0 : i32
    %scan3A_12 = arith.constant 128 : i32
    %scan3A_13 = arith.addi %scan3A_11, %scan3A_12 : i32
    %scan3A_14 = arith.constant 1 : i32
    %scan3A_15 = scf.for %scan3A_42 = %scan3A_11 to %scan3A_13 step %scan3A_14 iter_args(%scan3A_43 = %scan3A_10) -> (i32)  : i32 {
      %swap3A = arith.index_cast %scan3A_42 : i32 to index
      %swap3A_44 = arith.constant 0 : index
      %swap3A_45 = tpu.vector_load %arg9[%swap3A, %swap3A_44] {strides = array<i32>} : memref<128x16xf32, #tpu.memory_space<vmem>>, vector<1x16xf32>,
      %swap3A_46 = vector.shape_cast %swap3A_45 : vector<1x16xf32> to vector<16xf32>
      %swap3A_47 = vector.shape_cast %broadcast_in_dim3A_3 : vector<16xf32> to vector<1x16xf32>
      tpu.vector_store %arg9[%swap3A, %swap3A_44], %swap3A_47 {strides = array<i32>} : memref<128x16xf32, #tpu.memory_space<vmem>>, vector<1x16xf32>,
      %scan3A_48 = arith.constant 0 : i32
      scf.yield %scan3A_48 : i32
    }
    %scan3A_16 = arith.constant 128 : i32
    %mul3A_17 = arith.constant 626 : i32
    %mul3A_18 = arith.muli %arg1, %mul3A_17 : i32
    %mul3A_19 = arith.constant 40 : i32
    %mul3A_20 = arith.muli %add3A, %mul3A_19 : i32
    "tpu.region"() ({
      %run_scoped3A = tpu.sem_alloc : memref<!tpu.dma_semaphore, #tpu.memory_space<semaphore_mem>>
      %dma_start3A = arith.constant 0 : i32
      %dma_start3A_42 = tpu.memref_slice %arg2[%mul3A_20, %dma_start3A] : memref<1280x128xi32, #tpu.memory_space<hbm>> -> memref<40x128xi32, #tpu.memory_space<hbm>>
      %dma_start3A_43 = arith.constant 0 : i32
      %dma_start3A_44 = tpu.memref_slice %arg2[%mul3A_20, %dma_start3A_43] : memref<1280x128xi32, #tpu.memory_space<hbm>> -> memref<40x128xi32, #tpu.memory_space<hbm>>
      tpu.enqueue_dma source(%dma_start3A_44 : memref<40x128xi32, #tpu.memory_space<hbm>>) target(%arg6 : memref<40x128xi32, #tpu.memory_space<vmem>>) target_semaphore(%run_scoped3A : memref<!tpu.dma_semaphore, #tpu.memory_space<semaphore_mem>>)
      %dma_wait3A = arith.constant 0 : i32
      %dma_wait3A_45 = tpu.memref_slice %arg2[%mul3A_20, %dma_wait3A] : memref<1280x128xi32, #tpu.memory_space<hbm>> -> memref<40x128xi32, #tpu.memory_space<hbm>>
      %dma_wait3A_46 = arith.constant 0 : i32
      %dma_wait3A_47 = tpu.memref_slice %arg2[%mul3A_20, %dma_wait3A_46] : memref<1280x128xi32, #tpu.memory_space<hbm>> -> memref<40x128xi32, #tpu.memory_space<hbm>>
      tpu.wait_dma2 semaphore(%run_scoped3A : memref<!tpu.dma_semaphore, #tpu.memory_space<semaphore_mem>>) src(%dma_wait3A_47 : memref<40x128xi32, #tpu.memory_space<hbm>>) dst(%arg6 : memref<40x128xi32, #tpu.memory_space<vmem>>)
      tpu.yield
    }) : () -> ()
    %mul3A_21 = arith.constant 40 : i32
    %mul3A_22 = arith.muli %add3A, %mul3A_21 : i32
    "tpu.region"() ({
      %run_scoped3A = tpu.sem_alloc : memref<!tpu.dma_semaphore, #tpu.memory_space<semaphore_mem>>
      %dma_start3A = arith.constant 0 : i32
      %dma_start3A_42 = tpu.memref_slice %arg3[%mul3A_22, %dma_start3A] : memref<1280x128xi32, #tpu.memory_space<hbm>> -> memref<40x128xi32, #tpu.memory_space<hbm>>
      %dma_start3A_43 = arith.constant 0 : i32
      %dma_start3A_44 = tpu.memref_slice %arg3[%mul3A_22, %dma_start3A_43] : memref<1280x128xi32, #tpu.memory_space<hbm>> -> memref<40x128xi32, #tpu.memory_space<hbm>>
      tpu.enqueue_dma source(%dma_start3A_44 : memref<40x128xi32, #tpu.memory_space<hbm>>) target(%arg7 : memref<40x128xi32, #tpu.memory_space<vmem>>) target_semaphore(%run_scoped3A : memref<!tpu.dma_semaphore, #tpu.memory_space<semaphore_mem>>)
      %dma_wait3A = arith.constant 0 : i32
      %dma_wait3A_45 = tpu.memref_slice %arg3[%mul3A_22, %dma_wait3A] : memref<1280x128xi32, #tpu.memory_space<hbm>> -> memref<40x128xi32, #tpu.memory_space<hbm>>
      %dma_wait3A_46 = arith.constant 0 : i32
      %dma_wait3A_47 = tpu.memref_slice %arg3[%mul3A_22, %dma_wait3A_46] : memref<1280x128xi32, #tpu.memory_space<hbm>> -> memref<40x128xi32, #tpu.memory_space<hbm>>
      tpu.wait_dma2 semaphore(%run_scoped3A : memref<!tpu.dma_semaphore, #tpu.memory_space<semaphore_mem>>) src(%dma_wait3A_47 : memref<40x128xi32, #tpu.memory_space<hbm>>) dst(%arg7 : memref<40x128xi32, #tpu.memory_space<vmem>>)
      tpu.yield
    }) : () -> ()
    "tpu.region"() ({
      %run_scoped3A = tpu.sem_alloc : memref<!tpu.dma_semaphore, #tpu.memory_space<semaphore_mem>>
      %dma_start3A = arith.constant 0 : i32
      %dma_start3A_42 = tpu.memref_slice %arg10[%mul3A_18, %dma_start3A] : memref<10016x16xf32, #tpu.memory_space<vmem_shared>> -> memref<626x16xf32, #tpu.memory_space<vmem_shared>>
      %dma_start3A_43 = arith.constant 0 : i32
      %dma_start3A_44 = tpu.memref_slice %arg10[%mul3A_18, %dma_start3A_43] : memref<10016x16xf32, #tpu.memory_space<vmem_shared>> -> memref<626x16xf32, #tpu.memory_space<vmem_shared>>
      tpu.enqueue_dma source(%arg8 : memref<626x16xf32, #tpu.memory_space<vmem>>) target(%dma_start3A_44 : memref<626x16xf32, #tpu.memory_space<vmem_shared>>) target_semaphore(%run_scoped3A : memref<!tpu.dma_semaphore, #tpu.memory_space<semaphore_mem>>)
      %dma_wait3A = arith.constant 0 : i32
      %dma_wait3A_45 = tpu.memref_slice %arg10[%mul3A_18, %dma_wait3A] : memref<10016x16xf32, #tpu.memory_space<vmem_shared>> -> memref<626x16xf32, #tpu.memory_space<vmem_shared>>
      %dma_wait3A_46 = arith.constant 0 : i32
      %dma_wait3A_47 = tpu.memref_slice %arg10[%mul3A_18, %dma_wait3A_46] : memref<10016x16xf32, #tpu.memory_space<vmem_shared>> -> memref<626x16xf32, #tpu.memory_space<vmem_shared>>
      tpu.wait_dma2 semaphore(%run_scoped3A : memref<!tpu.dma_semaphore, #tpu.memory_space<semaphore_mem>>) src(%arg8 : memref<626x16xf32, #tpu.memory_space<vmem>>) dst(%dma_wait3A_47 : memref<626x16xf32, #tpu.memory_space<vmem_shared>>)
      tpu.yield
    }) : () -> ()
    %barrier3A = arith.constant 0 : index
    tpu.barrier barrier_id(%barrier3A)
    %scan3A_23 = arith.constant 0 : i32
    %scan3A_24 = arith.constant 0 : i32
    %scan3A_25 = arith.constant 40 : i32
    %scan3A_26 = arith.addi %scan3A_24, %scan3A_25 : i32
    %scan3A_27 = arith.constant 1 : i32
    %scan3A_28 = scf.for %scan3A_42 = %scan3A_24 to %scan3A_26 step %scan3A_27 iter_args(%scan3A_43 = %scan3A_23) -> (i32)  : i32 {
      "tpu.region"() ({
        %run_scoped3A = tpu.sem_alloc : memref<!tpu.dma_semaphore, #tpu.memory_space<semaphore_mem>>
        %dma_start3A = arith.constant 0 : i32
        %dma_start3A_45 = tpu.memref_slice %arg6[%scan3A_42, %dma_start3A] : memref<40x128xi32, #tpu.memory_space<vmem>> -> memref<1x128xi32, #tpu.memory_space<vmem>>
        %dma_start3A_46 = tpu.memref_squeeze %dma_start3A_45 : memref<1x128xi32, #tpu.memory_space<vmem>> -> memref<128xi32, #tpu.memory_space<vmem>>
        %dma_start3A_47 = arith.constant 0 : i32
        %dma_start3A_48 = arith.constant 0 : i32
        %dma_start3A_49 = tpu.memref_slice %arg10[%dma_start3A_47, %dma_start3A_48] : memref<10016x16xf32, #tpu.memory_space<vmem_shared>> -> memref<10016x16xf32, #tpu.memory_space<vmem_shared>>
        tpu.enqueue_indirect_dma source(%arg9 : memref<128x16xf32, #tpu.memory_space<vmem>>) target(%dma_start3A_49 : memref<10016x16xf32, #tpu.memory_space<vmem_shared>>) offsets(%dma_start3A_46 : memref<128xi32, #tpu.memory_space<vmem>>) semaphore(%run_scoped3A : memref<!tpu.dma_semaphore, #tpu.memory_space<semaphore_mem>>) {add = true}
        %dma_wait3A = arith.constant 0 : i32
        %dma_wait3A_50 = tpu.memref_slice %arg6[%scan3A_42, %dma_wait3A] : memref<40x128xi32, #tpu.memory_space<vmem>> -> memref<1x128xi32, #tpu.memory_space<vmem>>
        %dma_wait3A_51 = tpu.memref_squeeze %dma_wait3A_50 : memref<1x128xi32, #tpu.memory_space<vmem>> -> memref<128xi32, #tpu.memory_space<vmem>>
        %dma_wait3A_52 = arith.constant 0 : i32
        %dma_wait3A_53 = arith.constant 0 : i32
        %dma_wait3A_54 = tpu.memref_slice %arg10[%dma_wait3A_52, %dma_wait3A_53] : memref<10016x16xf32, #tpu.memory_space<vmem_shared>> -> memref<10016x16xf32, #tpu.memory_space<vmem_shared>>
        tpu.wait_indirect_dma semaphore(%run_scoped3A : memref<!tpu.dma_semaphore, #tpu.memory_space<semaphore_mem>>) src(%arg9 : memref<128x16xf32, #tpu.memory_space<vmem>>) dst(%dma_wait3A_54 : memref<10016x16xf32, #tpu.memory_space<vmem_shared>>)
        tpu.yield
      }) : () -> ()
      %scan3A_44 = arith.constant 0 : i32
      scf.yield %scan3A_44 : i32
    }
    %scan3A_29 = arith.constant 40 : i32
    %barrier3A_30 = arith.constant 0 : index
    tpu.barrier barrier_id(%barrier3A_30)
    "tpu.region"() ({
      %run_scoped3A = tpu.sem_alloc : memref<!tpu.dma_semaphore, #tpu.memory_space<semaphore_mem>>
      %dma_start3A = arith.constant 0 : i32
      %dma_start3A_42 = tpu.memref_slice %arg4[%arg0, %mul3A_18, %dma_start3A] : memref<2x10112x16xf32, #tpu.memory_space<hbm>> -> memref<1x626x16xf32, #tpu.memory_space<hbm>>
      %dma_start3A_43 = tpu.memref_squeeze %dma_start3A_42 : memref<1x626x16xf32, #tpu.memory_space<hbm>> -> memref<626x16xf32, #tpu.memory_space<hbm>>
      %dma_start3A_44 = arith.constant 0 : i32
      %dma_start3A_45 = tpu.memref_slice %arg10[%mul3A_18, %dma_start3A_44] : memref<10016x16xf32, #tpu.memory_space<vmem_shared>> -> memref<626x16xf32, #tpu.memory_space<vmem_shared>>
      tpu.enqueue_dma source(%dma_start3A_45 : memref<626x16xf32, #tpu.memory_space<vmem_shared>>) target(%dma_start3A_43 : memref<626x16xf32, #tpu.memory_space<hbm>>) target_semaphore(%run_scoped3A : memref<!tpu.dma_semaphore, #tpu.memory_space<semaphore_mem>>)
      %dma_wait3A = arith.constant 0 : i32
      %dma_wait3A_46 = tpu.memref_slice %arg4[%arg0, %mul3A_18, %dma_wait3A] : memref<2x10112x16xf32, #tpu.memory_space<hbm>> -> memref<1x626x16xf32, #tpu.memory_space<hbm>>
      %dma_wait3A_47 = tpu.memref_squeeze %dma_wait3A_46 : memref<1x626x16xf32, #tpu.memory_space<hbm>> -> memref<626x16xf32, #tpu.memory_space<hbm>>
      %dma_wait3A_48 = arith.constant 0 : i32
      %dma_wait3A_49 = tpu.memref_slice %arg10[%mul3A_18, %dma_wait3A_48] : memref<10016x16xf32, #tpu.memory_space<vmem_shared>> -> memref<626x16xf32, #tpu.memory_space<vmem_shared>>
      tpu.wait_dma2 semaphore(%run_scoped3A : memref<!tpu.dma_semaphore, #tpu.memory_space<semaphore_mem>>) src(%dma_wait3A_49 : memref<626x16xf32, #tpu.memory_space<vmem_shared>>) dst(%dma_wait3A_47 : memref<626x16xf32, #tpu.memory_space<hbm>>)
      tpu.yield
    }) : () -> ()
    %barrier3A_31 = arith.constant 0 : index
    tpu.barrier barrier_id(%barrier3A_31)
    "tpu.region"() ({
      %run_scoped3A = tpu.sem_alloc : memref<!tpu.dma_semaphore, #tpu.memory_space<semaphore_mem>>
      %dma_start3A = arith.constant 0 : i32
      %dma_start3A_42 = tpu.memref_slice %arg10[%mul3A_18, %dma_start3A] : memref<10016x16xf32, #tpu.memory_space<vmem_shared>> -> memref<626x16xf32, #tpu.memory_space<vmem_shared>>
      %dma_start3A_43 = arith.constant 0 : i32
      %dma_start3A_44 = tpu.memref_slice %arg10[%mul3A_18, %dma_start3A_43] : memref<10016x16xf32, #tpu.memory_space<vmem_shared>> -> memref<626x16xf32, #tpu.memory_space<vmem_shared>>
      tpu.enqueue_dma source(%arg8 : memref<626x16xf32, #tpu.memory_space<vmem>>) target(%dma_start3A_44 : memref<626x16xf32, #tpu.memory_space<vmem_shared>>) target_semaphore(%run_scoped3A : memref<!tpu.dma_semaphore, #tpu.memory_space<semaphore_mem>>)
      %dma_wait3A = arith.constant 0 : i32
      %dma_wait3A_45 = tpu.memref_slice %arg10[%mul3A_18, %dma_wait3A] : memref<10016x16xf32, #tpu.memory_space<vmem_shared>> -> memref<626x16xf32, #tpu.memory_space<vmem_shared>>
      %dma_wait3A_46 = arith.constant 0 : i32
      %dma_wait3A_47 = tpu.memref_slice %arg10[%mul3A_18, %dma_wait3A_46] : memref<10016x16xf32, #tpu.memory_space<vmem_shared>> -> memref<626x16xf32, #tpu.memory_space<vmem_shared>>
      tpu.wait_dma2 semaphore(%run_scoped3A : memref<!tpu.dma_semaphore, #tpu.memory_space<semaphore_mem>>) src(%arg8 : memref<626x16xf32, #tpu.memory_space<vmem>>) dst(%dma_wait3A_47 : memref<626x16xf32, #tpu.memory_space<vmem_shared>>)
      tpu.yield
    }) : () -> ()
    %barrier3A_32 = arith.constant 0 : index
    tpu.barrier barrier_id(%barrier3A_32)
    %scan3A_33 = arith.constant 0 : i32
    %scan3A_34 = arith.constant 0 : i32
    %scan3A_35 = arith.constant 40 : i32
    %scan3A_36 = arith.addi %scan3A_34, %scan3A_35 : i32
    %scan3A_37 = arith.constant 1 : i32
    %scan3A_38 = scf.for %scan3A_42 = %scan3A_34 to %scan3A_36 step %scan3A_37 iter_args(%scan3A_43 = %scan3A_33) -> (i32)  : i32 {
      "tpu.region"() ({
        %run_scoped3A = tpu.sem_alloc : memref<!tpu.dma_semaphore, #tpu.memory_space<semaphore_mem>>
        %dma_start3A = arith.constant 0 : i32
        %dma_start3A_45 = tpu.memref_slice %arg7[%scan3A_42, %dma_start3A] : memref<40x128xi32, #tpu.memory_space<vmem>> -> memref<1x128xi32, #tpu.memory_space<vmem>>
        %dma_start3A_46 = tpu.memref_squeeze %dma_start3A_45 : memref<1x128xi32, #tpu.memory_space<vmem>> -> memref<128xi32, #tpu.memory_space<vmem>>
        %dma_start3A_47 = arith.constant 0 : i32
        %dma_start3A_48 = arith.constant 0 : i32
        %dma_start3A_49 = tpu.memref_slice %arg10[%dma_start3A_47, %dma_start3A_48] : memref<10016x16xf32, #tpu.memory_space<vmem_shared>> -> memref<10016x16xf32, #tpu.memory_space<vmem_shared>>
        tpu.enqueue_indirect_dma source(%arg9 : memref<128x16xf32, #tpu.memory_space<vmem>>) target(%dma_start3A_49 : memref<10016x16xf32, #tpu.memory_space<vmem_shared>>) offsets(%dma_start3A_46 : memref<128xi32, #tpu.memory_space<vmem>>) semaphore(%run_scoped3A : memref<!tpu.dma_semaphore, #tpu.memory_space<semaphore_mem>>) {add = true}
        %dma_wait3A = arith.constant 0 : i32
        %dma_wait3A_50 = tpu.memref_slice %arg7[%scan3A_42, %dma_wait3A] : memref<40x128xi32, #tpu.memory_space<vmem>> -> memref<1x128xi32, #tpu.memory_space<vmem>>
        %dma_wait3A_51 = tpu.memref_squeeze %dma_wait3A_50 : memref<1x128xi32, #tpu.memory_space<vmem>> -> memref<128xi32, #tpu.memory_space<vmem>>
        %dma_wait3A_52 = arith.constant 0 : i32
        %dma_wait3A_53 = arith.constant 0 : i32
        %dma_wait3A_54 = tpu.memref_slice %arg10[%dma_wait3A_52, %dma_wait3A_53] : memref<10016x16xf32, #tpu.memory_space<vmem_shared>> -> memref<10016x16xf32, #tpu.memory_space<vmem_shared>>
        tpu.wait_indirect_dma semaphore(%run_scoped3A : memref<!tpu.dma_semaphore, #tpu.memory_space<semaphore_mem>>) src(%arg9 : memref<128x16xf32, #tpu.memory_space<vmem>>) dst(%dma_wait3A_54 : memref<10016x16xf32, #tpu.memory_space<vmem_shared>>)
        tpu.yield
      }) : () -> ()
      %scan3A_44 = arith.constant 0 : i32
      scf.yield %scan3A_44 : i32
    }
    %scan3A_39 = arith.constant 40 : i32
    %barrier3A_40 = arith.constant 0 : index
    tpu.barrier barrier_id(%barrier3A_40)
    "tpu.region"() ({
      %run_scoped3A = tpu.sem_alloc : memref<!tpu.dma_semaphore, #tpu.memory_space<semaphore_mem>>
      %dma_start3A = arith.constant 0 : i32
      %dma_start3A_42 = tpu.memref_slice %arg5[%arg0, %mul3A_18, %dma_start3A] : memref<2x10112x16xf32, #tpu.memory_space<hbm>> -> memref<1x626x16xf32, #tpu.memory_space<hbm>>
      %dma_start3A_43 = tpu.memref_squeeze %dma_start3A_42 : memref<1x626x16xf32, #tpu.memory_space<hbm>> -> memref<626x16xf32, #tpu.memory_space<hbm>>
      %dma_start3A_44 = arith.constant 0 : i32
      %dma_start3A_45 = tpu.memref_slice %arg10[%mul3A_18, %dma_start3A_44] : memref<10016x16xf32, #tpu.memory_space<vmem_shared>> -> memref<626x16xf32, #tpu.memory_space<vmem_shared>>
      tpu.enqueue_dma source(%dma_start3A_45 : memref<626x16xf32, #tpu.memory_space<vmem_shared>>) target(%dma_start3A_43 : memref<626x16xf32, #tpu.memory_space<hbm>>) target_semaphore(%run_scoped3A : memref<!tpu.dma_semaphore, #tpu.memory_space<semaphore_mem>>)
      %dma_wait3A = arith.constant 0 : i32
      %dma_wait3A_46 = tpu.memref_slice %arg5[%arg0, %mul3A_18, %dma_wait3A] : memref<2x10112x16xf32, #tpu.memory_space<hbm>> -> memref<1x626x16xf32, #tpu.memory_space<hbm>>
      %dma_wait3A_47 = tpu.memref_squeeze %dma_wait3A_46 : memref<1x626x16xf32, #tpu.memory_space<hbm>> -> memref<626x16xf32, #tpu.memory_space<hbm>>
      %dma_wait3A_48 = arith.constant 0 : i32
      %dma_wait3A_49 = tpu.memref_slice %arg10[%mul3A_18, %dma_wait3A_48] : memref<10016x16xf32, #tpu.memory_space<vmem_shared>> -> memref<626x16xf32, #tpu.memory_space<vmem_shared>>
      tpu.wait_dma2 semaphore(%run_scoped3A : memref<!tpu.dma_semaphore, #tpu.memory_space<semaphore_mem>>) src(%dma_wait3A_49 : memref<626x16xf32, #tpu.memory_space<vmem_shared>>) dst(%dma_wait3A_47 : memref<626x16xf32, #tpu.memory_space<hbm>>)
      tpu.yield
    }) : () -> ()
    %barrier3A_41 = arith.constant 0 : index
    tpu.barrier barrier_id(%barrier3A_41)
    return
  }
}

#map = affine_map<(d0, d1) -> (0, 0)>
#map1 = affine_map<(d0, d1) -> (0, 0, 0)>
module attributes {stable_mosaic.version = 14 : i64} {
  func.func @agg(%arg0: i32, %arg1: i32, %arg2: memref<40448x64xf32, #tpu.memory_space<hbm>>, %arg3: memref<4x1280x128xi32, #tpu.memory_space<hbm>>, %arg4: memref<1280x128xi32, #tpu.memory_space<hbm>>, %arg5: memref<4x10112x64xf32, #tpu.memory_space<hbm>>, %arg6: memref<80x128xi32, #tpu.memory_space<vmem>>, %arg7: memref<80x128xi32, #tpu.memory_space<vmem>>, %arg8: memref<626x64xf32, #tpu.memory_space<vmem>>, %arg9: memref<128x64xf32, #tpu.memory_space<vmem>>, %arg10: memref<128x64xf32, #tpu.memory_space<vmem>>, %arg11: memref<!tpu.dma_semaphore, #tpu.memory_space<semaphore_mem>>, %arg12: memref<!tpu.dma_semaphore, #tpu.memory_space<semaphore_mem>>, %arg13: memref<10016x64xf32, #tpu.memory_space<vmem_shared>>) attributes {dimension_semantics = [#tpu.dimension_semantics<core_parallel>, #tpu.dimension_semantics<subcore_parallel>], iteration_bounds = array<i64: 2, 16>, scalar_prefetch = 0 : i64, scratch_operands = 8 : i64, tpu.core_type = #tpu.core_type<sc_vector_subcore>, window_params = [{transform_indices = #map}, {transform_indices = #map1}, {transform_indices = #map}, {transform_indices = #map1}]} {
    %mul3A = arith.constant 626 : i32
    %mul3A_0 = arith.muli %arg1, %mul3A : i32
    %broadcast_in_dim3A = arith.constant 0.000000e+00 : f32
    %broadcast_in_dim3A_1 = vector.broadcast %broadcast_in_dim3A : f32 to vector<16xf32>
    %scan3A = arith.constant 0 : i32
    %scan3A_2 = arith.constant 0 : i32
    %scan3A_3 = arith.constant 626 : i32
    %scan3A_4 = arith.addi %scan3A_2, %scan3A_3 : i32
    %scan3A_5 = arith.constant 1 : i32
    %scan3A_6 = scf.for %scan3A_65 = %scan3A_2 to %scan3A_4 step %scan3A_5 iter_args(%scan3A_66 = %scan3A) -> (i32)  : i32 {
      %swap3A = arith.index_cast %scan3A_65 : i32 to index
      %swap3A_67 = arith.constant 0 : index
      %swap3A_68 = tpu.vector_load %arg8[%swap3A, %swap3A_67] {strides = array<i32>} : memref<626x64xf32, #tpu.memory_space<vmem>>, vector<1x16xf32>,
      %swap3A_69 = vector.shape_cast %swap3A_68 : vector<1x16xf32> to vector<16xf32>
      %swap3A_70 = vector.shape_cast %broadcast_in_dim3A_1 : vector<16xf32> to vector<1x16xf32>
      tpu.vector_store %arg8[%swap3A, %swap3A_67], %swap3A_70 {strides = array<i32>} : memref<626x64xf32, #tpu.memory_space<vmem>>, vector<1x16xf32>,
      %swap3A_71 = arith.index_cast %scan3A_65 : i32 to index
      %swap3A_72 = arith.constant 16 : index
      %swap3A_73 = tpu.vector_load %arg8[%swap3A_71, %swap3A_72] {strides = array<i32>} : memref<626x64xf32, #tpu.memory_space<vmem>>, vector<1x16xf32>,
      %swap3A_74 = vector.shape_cast %swap3A_73 : vector<1x16xf32> to vector<16xf32>
      %swap3A_75 = vector.shape_cast %broadcast_in_dim3A_1 : vector<16xf32> to vector<1x16xf32>
      tpu.vector_store %arg8[%swap3A_71, %swap3A_72], %swap3A_75 {strides = array<i32>} : memref<626x64xf32, #tpu.memory_space<vmem>>, vector<1x16xf32>,
      %swap3A_76 = arith.index_cast %scan3A_65 : i32 to index
      %swap3A_77 = arith.constant 32 : index
      %swap3A_78 = tpu.vector_load %arg8[%swap3A_76, %swap3A_77] {strides = array<i32>} : memref<626x64xf32, #tpu.memory_space<vmem>>, vector<1x16xf32>,
      %swap3A_79 = vector.shape_cast %swap3A_78 : vector<1x16xf32> to vector<16xf32>
      %swap3A_80 = vector.shape_cast %broadcast_in_dim3A_1 : vector<16xf32> to vector<1x16xf32>
      tpu.vector_store %arg8[%swap3A_76, %swap3A_77], %swap3A_80 {strides = array<i32>} : memref<626x64xf32, #tpu.memory_space<vmem>>, vector<1x16xf32>,
      %swap3A_81 = arith.index_cast %scan3A_65 : i32 to index
      %swap3A_82 = arith.constant 48 : index
      %swap3A_83 = tpu.vector_load %arg8[%swap3A_81, %swap3A_82] {strides = array<i32>} : memref<626x64xf32, #tpu.memory_space<vmem>>, vector<1x16xf32>,
      %swap3A_84 = vector.shape_cast %swap3A_83 : vector<1x16xf32> to vector<16xf32>
      %swap3A_85 = vector.shape_cast %broadcast_in_dim3A_1 : vector<16xf32> to vector<1x16xf32>
      tpu.vector_store %arg8[%swap3A_81, %swap3A_82], %swap3A_85 {strides = array<i32>} : memref<626x64xf32, #tpu.memory_space<vmem>>, vector<1x16xf32>,
      %scan3A_86 = arith.constant 0 : i32
      scf.yield %scan3A_86 : i32
    }
    %scan3A_7 = arith.constant 626 : i32
    %mul3A_8 = arith.constant 80 : i32
    %mul3A_9 = arith.muli %arg1, %mul3A_8 : i32
    "tpu.region"() ({
      %run_scoped3A = tpu.sem_alloc : memref<!tpu.dma_semaphore, #tpu.memory_space<semaphore_mem>>
      %dma_start3A_65 = arith.constant 0 : i32
      %dma_start3A_66 = tpu.memref_slice %arg4[%mul3A_9, %dma_start3A_65] : memref<1280x128xi32, #tpu.memory_space<hbm>> -> memref<80x128xi32, #tpu.memory_space<hbm>>
      %dma_start3A_67 = arith.constant 0 : i32
      %dma_start3A_68 = tpu.memref_slice %arg4[%mul3A_9, %dma_start3A_67] : memref<1280x128xi32, #tpu.memory_space<hbm>> -> memref<80x128xi32, #tpu.memory_space<hbm>>
      tpu.enqueue_dma source(%dma_start3A_68 : memref<80x128xi32, #tpu.memory_space<hbm>>) target(%arg7 : memref<80x128xi32, #tpu.memory_space<vmem>>) target_semaphore(%run_scoped3A : memref<!tpu.dma_semaphore, #tpu.memory_space<semaphore_mem>>)
      %dma_wait3A = arith.constant 0 : i32
      %dma_wait3A_69 = tpu.memref_slice %arg4[%mul3A_9, %dma_wait3A] : memref<1280x128xi32, #tpu.memory_space<hbm>> -> memref<80x128xi32, #tpu.memory_space<hbm>>
      %dma_wait3A_70 = arith.constant 0 : i32
      %dma_wait3A_71 = tpu.memref_slice %arg4[%mul3A_9, %dma_wait3A_70] : memref<1280x128xi32, #tpu.memory_space<hbm>> -> memref<80x128xi32, #tpu.memory_space<hbm>>
      tpu.wait_dma2 semaphore(%run_scoped3A : memref<!tpu.dma_semaphore, #tpu.memory_space<semaphore_mem>>) src(%dma_wait3A_71 : memref<80x128xi32, #tpu.memory_space<hbm>>) dst(%arg7 : memref<80x128xi32, #tpu.memory_space<vmem>>)
      tpu.yield
    }) : () -> ()
    %mul3A_10 = arith.constant 2 : i32
    %mul3A_11 = arith.muli %arg0, %mul3A_10 : i32
    %add3A = arith.constant 0 : i32
    %add3A_12 = arith.addi %mul3A_11, %add3A : i32
    "tpu.region"() ({
      %run_scoped3A = tpu.sem_alloc : memref<!tpu.dma_semaphore, #tpu.memory_space<semaphore_mem>>
      %dma_start3A_65 = arith.constant 0 : i32
      %dma_start3A_66 = tpu.memref_slice %arg13[%mul3A_0, %dma_start3A_65] : memref<10016x64xf32, #tpu.memory_space<vmem_shared>> -> memref<626x64xf32, #tpu.memory_space<vmem_shared>>
      %dma_start3A_67 = arith.constant 0 : i32
      %dma_start3A_68 = tpu.memref_slice %arg13[%mul3A_0, %dma_start3A_67] : memref<10016x64xf32, #tpu.memory_space<vmem_shared>> -> memref<626x64xf32, #tpu.memory_space<vmem_shared>>
      tpu.enqueue_dma source(%arg8 : memref<626x64xf32, #tpu.memory_space<vmem>>) target(%dma_start3A_68 : memref<626x64xf32, #tpu.memory_space<vmem_shared>>) target_semaphore(%run_scoped3A : memref<!tpu.dma_semaphore, #tpu.memory_space<semaphore_mem>>)
      %dma_wait3A = arith.constant 0 : i32
      %dma_wait3A_69 = tpu.memref_slice %arg13[%mul3A_0, %dma_wait3A] : memref<10016x64xf32, #tpu.memory_space<vmem_shared>> -> memref<626x64xf32, #tpu.memory_space<vmem_shared>>
      %dma_wait3A_70 = arith.constant 0 : i32
      %dma_wait3A_71 = tpu.memref_slice %arg13[%mul3A_0, %dma_wait3A_70] : memref<10016x64xf32, #tpu.memory_space<vmem_shared>> -> memref<626x64xf32, #tpu.memory_space<vmem_shared>>
      tpu.wait_dma2 semaphore(%run_scoped3A : memref<!tpu.dma_semaphore, #tpu.memory_space<semaphore_mem>>) src(%arg8 : memref<626x64xf32, #tpu.memory_space<vmem>>) dst(%dma_wait3A_71 : memref<626x64xf32, #tpu.memory_space<vmem_shared>>)
      tpu.yield
    }) : () -> ()
    %mul3A_13 = arith.constant 80 : i32
    %mul3A_14 = arith.muli %arg1, %mul3A_13 : i32
    "tpu.region"() ({
      %run_scoped3A = tpu.sem_alloc : memref<!tpu.dma_semaphore, #tpu.memory_space<semaphore_mem>>
      %dma_start3A_65 = arith.constant 0 : i32
      %dma_start3A_66 = tpu.memref_slice %arg3[%add3A_12, %mul3A_14, %dma_start3A_65] : memref<4x1280x128xi32, #tpu.memory_space<hbm>> -> memref<1x80x128xi32, #tpu.memory_space<hbm>>
      %dma_start3A_67 = tpu.memref_squeeze %dma_start3A_66 : memref<1x80x128xi32, #tpu.memory_space<hbm>> -> memref<80x128xi32, #tpu.memory_space<hbm>>
      %dma_start3A_68 = arith.constant 0 : i32
      %dma_start3A_69 = tpu.memref_slice %arg3[%add3A_12, %mul3A_14, %dma_start3A_68] : memref<4x1280x128xi32, #tpu.memory_space<hbm>> -> memref<1x80x128xi32, #tpu.memory_space<hbm>>
      %dma_start3A_70 = tpu.memref_squeeze %dma_start3A_69 : memref<1x80x128xi32, #tpu.memory_space<hbm>> -> memref<80x128xi32, #tpu.memory_space<hbm>>
      tpu.enqueue_dma source(%dma_start3A_70 : memref<80x128xi32, #tpu.memory_space<hbm>>) target(%arg6 : memref<80x128xi32, #tpu.memory_space<vmem>>) target_semaphore(%run_scoped3A : memref<!tpu.dma_semaphore, #tpu.memory_space<semaphore_mem>>)
      %dma_wait3A = arith.constant 0 : i32
      %dma_wait3A_71 = tpu.memref_slice %arg3[%add3A_12, %mul3A_14, %dma_wait3A] : memref<4x1280x128xi32, #tpu.memory_space<hbm>> -> memref<1x80x128xi32, #tpu.memory_space<hbm>>
      %dma_wait3A_72 = tpu.memref_squeeze %dma_wait3A_71 : memref<1x80x128xi32, #tpu.memory_space<hbm>> -> memref<80x128xi32, #tpu.memory_space<hbm>>
      %dma_wait3A_73 = arith.constant 0 : i32
      %dma_wait3A_74 = tpu.memref_slice %arg3[%add3A_12, %mul3A_14, %dma_wait3A_73] : memref<4x1280x128xi32, #tpu.memory_space<hbm>> -> memref<1x80x128xi32, #tpu.memory_space<hbm>>
      %dma_wait3A_75 = tpu.memref_squeeze %dma_wait3A_74 : memref<1x80x128xi32, #tpu.memory_space<hbm>> -> memref<80x128xi32, #tpu.memory_space<hbm>>
      tpu.wait_dma2 semaphore(%run_scoped3A : memref<!tpu.dma_semaphore, #tpu.memory_space<semaphore_mem>>) src(%dma_wait3A_75 : memref<80x128xi32, #tpu.memory_space<hbm>>) dst(%arg6 : memref<80x128xi32, #tpu.memory_space<vmem>>)
      tpu.yield
    }) : () -> ()
    %barrier3A = arith.constant 0 : index
    tpu.barrier barrier_id(%barrier3A)
    %dma_start3A = arith.constant 0 : i32
    %dma_start3A_15 = arith.constant 0 : i32
    %dma_start3A_16 = tpu.memref_slice %arg6[%dma_start3A, %dma_start3A_15] : memref<80x128xi32, #tpu.memory_space<vmem>> -> memref<1x128xi32, #tpu.memory_space<vmem>>
    %dma_start3A_17 = tpu.memref_squeeze %dma_start3A_16 : memref<1x128xi32, #tpu.memory_space<vmem>> -> memref<128xi32, #tpu.memory_space<vmem>>
    %dma_start3A_18 = arith.constant 0 : i32
    %dma_start3A_19 = arith.constant 0 : i32
    %dma_start3A_20 = tpu.memref_slice %arg2[%dma_start3A_18, %dma_start3A_19] : memref<40448x64xf32, #tpu.memory_space<hbm>> -> memref<40448x64xf32, #tpu.memory_space<hbm>>
    tpu.enqueue_indirect_dma source(%dma_start3A_20 : memref<40448x64xf32, #tpu.memory_space<hbm>>) target(%arg9 : memref<128x64xf32, #tpu.memory_space<vmem>>) offsets(%dma_start3A_17 : memref<128xi32, #tpu.memory_space<vmem>>) semaphore(%arg11 : memref<!tpu.dma_semaphore, #tpu.memory_space<semaphore_mem>>)
    %dma_start3A_21 = arith.constant 1 : i32
    %dma_start3A_22 = arith.constant 0 : i32
    %dma_start3A_23 = tpu.memref_slice %arg6[%dma_start3A_21, %dma_start3A_22] : memref<80x128xi32, #tpu.memory_space<vmem>> -> memref<1x128xi32, #tpu.memory_space<vmem>>
    %dma_start3A_24 = tpu.memref_squeeze %dma_start3A_23 : memref<1x128xi32, #tpu.memory_space<vmem>> -> memref<128xi32, #tpu.memory_space<vmem>>
    %dma_start3A_25 = arith.constant 0 : i32
    %dma_start3A_26 = arith.constant 0 : i32
    %dma_start3A_27 = tpu.memref_slice %arg2[%dma_start3A_25, %dma_start3A_26] : memref<40448x64xf32, #tpu.memory_space<hbm>> -> memref<40448x64xf32, #tpu.memory_space<hbm>>
    tpu.enqueue_indirect_dma source(%dma_start3A_27 : memref<40448x64xf32, #tpu.memory_space<hbm>>) target(%arg10 : memref<128x64xf32, #tpu.memory_space<vmem>>) offsets(%dma_start3A_24 : memref<128xi32, #tpu.memory_space<vmem>>) semaphore(%arg12 : memref<!tpu.dma_semaphore, #tpu.memory_space<semaphore_mem>>)
    %scan3A_28 = arith.constant 0 : i32
    %scan3A_29 = arith.constant 0 : i32
    %scan3A_30 = arith.constant 40 : i32
    %scan3A_31 = arith.addi %scan3A_29, %scan3A_30 : i32
    %scan3A_32 = arith.constant 1 : i32
    %scan3A_33 = scf.for %scan3A_65 = %scan3A_29 to %scan3A_31 step %scan3A_32 iter_args(%scan3A_66 = %scan3A_28) -> (i32)  : i32 {
      %mul3A_67 = arith.constant 2 : i32
      %mul3A_68 = arith.muli %mul3A_67, %scan3A_65 : i32
      %add3A_69 = arith.constant 0 : i32
      %add3A_70 = arith.addi %mul3A_68, %add3A_69 : i32
      %dma_wait3A = arith.constant 0 : i32
      %dma_wait3A_71 = tpu.memref_slice %arg6[%add3A_70, %dma_wait3A] : memref<80x128xi32, #tpu.memory_space<vmem>> -> memref<1x128xi32, #tpu.memory_space<vmem>>
      %dma_wait3A_72 = tpu.memref_squeeze %dma_wait3A_71 : memref<1x128xi32, #tpu.memory_space<vmem>> -> memref<128xi32, #tpu.memory_space<vmem>>
      %dma_wait3A_73 = arith.constant 0 : i32
      %dma_wait3A_74 = arith.constant 0 : i32
      %dma_wait3A_75 = tpu.memref_slice %arg2[%dma_wait3A_73, %dma_wait3A_74] : memref<40448x64xf32, #tpu.memory_space<hbm>> -> memref<40448x64xf32, #tpu.memory_space<hbm>>
      tpu.wait_indirect_dma semaphore(%arg11 : memref<!tpu.dma_semaphore, #tpu.memory_space<semaphore_mem>>) src(%dma_wait3A_75 : memref<40448x64xf32, #tpu.memory_space<hbm>>) dst(%arg9 : memref<128x64xf32, #tpu.memory_space<vmem>>)
      "tpu.region"() ({
        %run_scoped3A = tpu.sem_alloc : memref<!tpu.dma_semaphore, #tpu.memory_space<semaphore_mem>>
        %dma_start3A_92 = arith.constant 0 : i32
        %dma_start3A_93 = tpu.memref_slice %arg7[%add3A_70, %dma_start3A_92] : memref<80x128xi32, #tpu.memory_space<vmem>> -> memref<1x128xi32, #tpu.memory_space<vmem>>
        %dma_start3A_94 = tpu.memref_squeeze %dma_start3A_93 : memref<1x128xi32, #tpu.memory_space<vmem>> -> memref<128xi32, #tpu.memory_space<vmem>>
        %dma_start3A_95 = arith.constant 0 : i32
        %dma_start3A_96 = arith.constant 0 : i32
        %dma_start3A_97 = tpu.memref_slice %arg13[%dma_start3A_95, %dma_start3A_96] : memref<10016x64xf32, #tpu.memory_space<vmem_shared>> -> memref<10016x64xf32, #tpu.memory_space<vmem_shared>>
        tpu.enqueue_indirect_dma source(%arg9 : memref<128x64xf32, #tpu.memory_space<vmem>>) target(%dma_start3A_97 : memref<10016x64xf32, #tpu.memory_space<vmem_shared>>) offsets(%dma_start3A_94 : memref<128xi32, #tpu.memory_space<vmem>>) semaphore(%run_scoped3A : memref<!tpu.dma_semaphore, #tpu.memory_space<semaphore_mem>>) {add = true}
        %dma_wait3A_98 = arith.constant 0 : i32
        %dma_wait3A_99 = tpu.memref_slice %arg7[%add3A_70, %dma_wait3A_98] : memref<80x128xi32, #tpu.memory_space<vmem>> -> memref<1x128xi32, #tpu.memory_space<vmem>>
        %dma_wait3A_100 = tpu.memref_squeeze %dma_wait3A_99 : memref<1x128xi32, #tpu.memory_space<vmem>> -> memref<128xi32, #tpu.memory_space<vmem>>
        %dma_wait3A_101 = arith.constant 0 : i32
        %dma_wait3A_102 = arith.constant 0 : i32
        %dma_wait3A_103 = tpu.memref_slice %arg13[%dma_wait3A_101, %dma_wait3A_102] : memref<10016x64xf32, #tpu.memory_space<vmem_shared>> -> memref<10016x64xf32, #tpu.memory_space<vmem_shared>>
        tpu.wait_indirect_dma semaphore(%run_scoped3A : memref<!tpu.dma_semaphore, #tpu.memory_space<semaphore_mem>>) src(%arg9 : memref<128x64xf32, #tpu.memory_space<vmem>>) dst(%dma_wait3A_103 : memref<10016x64xf32, #tpu.memory_space<vmem_shared>>)
        tpu.yield
      }) : () -> ()
      %lt3A = arith.constant 39 : i32
      %lt3A_76 = arith.cmpi slt, %scan3A_65, %lt3A : i32
      %convert_element_type3A = arith.extui %lt3A_76 : i1 to i32
      %cond3A = arith.constant 0 : i32
      %cond3A_77 = arith.cmpi ne, %convert_element_type3A, %cond3A : i32
      scf.if %cond3A_77 {
        %add3A_92 = arith.constant 2 : i32
        %add3A_93 = arith.addi %add3A_70, %add3A_92 : i32
        %dma_start3A_94 = arith.constant 0 : i32
        %dma_start3A_95 = tpu.memref_slice %arg6[%add3A_93, %dma_start3A_94] : memref<80x128xi32, #tpu.memory_space<vmem>> -> memref<1x128xi32, #tpu.memory_space<vmem>>
        %dma_start3A_96 = tpu.memref_squeeze %dma_start3A_95 : memref<1x128xi32, #tpu.memory_space<vmem>> -> memref<128xi32, #tpu.memory_space<vmem>>
        %dma_start3A_97 = arith.constant 0 : i32
        %dma_start3A_98 = arith.constant 0 : i32
        %dma_start3A_99 = tpu.memref_slice %arg2[%dma_start3A_97, %dma_start3A_98] : memref<40448x64xf32, #tpu.memory_space<hbm>> -> memref<40448x64xf32, #tpu.memory_space<hbm>>
        tpu.enqueue_indirect_dma source(%dma_start3A_99 : memref<40448x64xf32, #tpu.memory_space<hbm>>) target(%arg9 : memref<128x64xf32, #tpu.memory_space<vmem>>) offsets(%dma_start3A_96 : memref<128xi32, #tpu.memory_space<vmem>>) semaphore(%arg11 : memref<!tpu.dma_semaphore, #tpu.memory_space<semaphore_mem>>)
      } else {
      }
      %add3A_78 = arith.constant 1 : i32
      %add3A_79 = arith.addi %mul3A_68, %add3A_78 : i32
      %dma_wait3A_80 = arith.constant 0 : i32
      %dma_wait3A_81 = tpu.memref_slice %arg6[%add3A_79, %dma_wait3A_80] : memref<80x128xi32, #tpu.memory_space<vmem>> -> memref<1x128xi32, #tpu.memory_space<vmem>>
      %dma_wait3A_82 = tpu.memref_squeeze %dma_wait3A_81 : memref<1x128xi32, #tpu.memory_space<vmem>> -> memref<128xi32, #tpu.memory_space<vmem>>
      %dma_wait3A_83 = arith.constant 0 : i32
      %dma_wait3A_84 = arith.constant 0 : i32
      %dma_wait3A_85 = tpu.memref_slice %arg2[%dma_wait3A_83, %dma_wait3A_84] : memref<40448x64xf32, #tpu.memory_space<hbm>> -> memref<40448x64xf32, #tpu.memory_space<hbm>>
      tpu.wait_indirect_dma semaphore(%arg12 : memref<!tpu.dma_semaphore, #tpu.memory_space<semaphore_mem>>) src(%dma_wait3A_85 : memref<40448x64xf32, #tpu.memory_space<hbm>>) dst(%arg10 : memref<128x64xf32, #tpu.memory_space<vmem>>)
      "tpu.region"() ({
        %run_scoped3A = tpu.sem_alloc : memref<!tpu.dma_semaphore, #tpu.memory_space<semaphore_mem>>
        %dma_start3A_92 = arith.constant 0 : i32
        %dma_start3A_93 = tpu.memref_slice %arg7[%add3A_79, %dma_start3A_92] : memref<80x128xi32, #tpu.memory_space<vmem>> -> memref<1x128xi32, #tpu.memory_space<vmem>>
        %dma_start3A_94 = tpu.memref_squeeze %dma_start3A_93 : memref<1x128xi32, #tpu.memory_space<vmem>> -> memref<128xi32, #tpu.memory_space<vmem>>
        %dma_start3A_95 = arith.constant 0 : i32
        %dma_start3A_96 = arith.constant 0 : i32
        %dma_start3A_97 = tpu.memref_slice %arg13[%dma_start3A_95, %dma_start3A_96] : memref<10016x64xf32, #tpu.memory_space<vmem_shared>> -> memref<10016x64xf32, #tpu.memory_space<vmem_shared>>
        tpu.enqueue_indirect_dma source(%arg10 : memref<128x64xf32, #tpu.memory_space<vmem>>) target(%dma_start3A_97 : memref<10016x64xf32, #tpu.memory_space<vmem_shared>>) offsets(%dma_start3A_94 : memref<128xi32, #tpu.memory_space<vmem>>) semaphore(%run_scoped3A : memref<!tpu.dma_semaphore, #tpu.memory_space<semaphore_mem>>) {add = true}
        %dma_wait3A_98 = arith.constant 0 : i32
        %dma_wait3A_99 = tpu.memref_slice %arg7[%add3A_79, %dma_wait3A_98] : memref<80x128xi32, #tpu.memory_space<vmem>> -> memref<1x128xi32, #tpu.memory_space<vmem>>
        %dma_wait3A_100 = tpu.memref_squeeze %dma_wait3A_99 : memref<1x128xi32, #tpu.memory_space<vmem>> -> memref<128xi32, #tpu.memory_space<vmem>>
        %dma_wait3A_101 = arith.constant 0 : i32
        %dma_wait3A_102 = arith.constant 0 : i32
        %dma_wait3A_103 = tpu.memref_slice %arg13[%dma_wait3A_101, %dma_wait3A_102] : memref<10016x64xf32, #tpu.memory_space<vmem_shared>> -> memref<10016x64xf32, #tpu.memory_space<vmem_shared>>
        tpu.wait_indirect_dma semaphore(%run_scoped3A : memref<!tpu.dma_semaphore, #tpu.memory_space<semaphore_mem>>) src(%arg10 : memref<128x64xf32, #tpu.memory_space<vmem>>) dst(%dma_wait3A_103 : memref<10016x64xf32, #tpu.memory_space<vmem_shared>>)
        tpu.yield
      }) : () -> ()
      %lt3A_86 = arith.constant 39 : i32
      %lt3A_87 = arith.cmpi slt, %scan3A_65, %lt3A_86 : i32
      %convert_element_type3A_88 = arith.extui %lt3A_87 : i1 to i32
      %cond3A_89 = arith.constant 0 : i32
      %cond3A_90 = arith.cmpi ne, %convert_element_type3A_88, %cond3A_89 : i32
      scf.if %cond3A_90 {
        %add3A_92 = arith.constant 2 : i32
        %add3A_93 = arith.addi %add3A_79, %add3A_92 : i32
        %dma_start3A_94 = arith.constant 0 : i32
        %dma_start3A_95 = tpu.memref_slice %arg6[%add3A_93, %dma_start3A_94] : memref<80x128xi32, #tpu.memory_space<vmem>> -> memref<1x128xi32, #tpu.memory_space<vmem>>
        %dma_start3A_96 = tpu.memref_squeeze %dma_start3A_95 : memref<1x128xi32, #tpu.memory_space<vmem>> -> memref<128xi32, #tpu.memory_space<vmem>>
        %dma_start3A_97 = arith.constant 0 : i32
        %dma_start3A_98 = arith.constant 0 : i32
        %dma_start3A_99 = tpu.memref_slice %arg2[%dma_start3A_97, %dma_start3A_98] : memref<40448x64xf32, #tpu.memory_space<hbm>> -> memref<40448x64xf32, #tpu.memory_space<hbm>>
        tpu.enqueue_indirect_dma source(%dma_start3A_99 : memref<40448x64xf32, #tpu.memory_space<hbm>>) target(%arg10 : memref<128x64xf32, #tpu.memory_space<vmem>>) offsets(%dma_start3A_96 : memref<128xi32, #tpu.memory_space<vmem>>) semaphore(%arg12 : memref<!tpu.dma_semaphore, #tpu.memory_space<semaphore_mem>>)
      } else {
      }
      %scan3A_91 = arith.constant 0 : i32
      scf.yield %scan3A_91 : i32
    }
    %scan3A_34 = arith.constant 40 : i32
    %barrier3A_35 = arith.constant 0 : index
    tpu.barrier barrier_id(%barrier3A_35)
    "tpu.region"() ({
      %run_scoped3A = tpu.sem_alloc : memref<!tpu.dma_semaphore, #tpu.memory_space<semaphore_mem>>
      %dma_start3A_65 = arith.constant 0 : i32
      %dma_start3A_66 = tpu.memref_slice %arg5[%add3A_12, %mul3A_0, %dma_start3A_65] : memref<4x10112x64xf32, #tpu.memory_space<hbm>> -> memref<1x626x64xf32, #tpu.memory_space<hbm>>
      %dma_start3A_67 = tpu.memref_squeeze %dma_start3A_66 : memref<1x626x64xf32, #tpu.memory_space<hbm>> -> memref<626x64xf32, #tpu.memory_space<hbm>>
      %dma_start3A_68 = arith.constant 0 : i32
      %dma_start3A_69 = tpu.memref_slice %arg13[%mul3A_0, %dma_start3A_68] : memref<10016x64xf32, #tpu.memory_space<vmem_shared>> -> memref<626x64xf32, #tpu.memory_space<vmem_shared>>
      tpu.enqueue_dma source(%dma_start3A_69 : memref<626x64xf32, #tpu.memory_space<vmem_shared>>) target(%dma_start3A_67 : memref<626x64xf32, #tpu.memory_space<hbm>>) target_semaphore(%run_scoped3A : memref<!tpu.dma_semaphore, #tpu.memory_space<semaphore_mem>>)
      %dma_wait3A = arith.constant 0 : i32
      %dma_wait3A_70 = tpu.memref_slice %arg5[%add3A_12, %mul3A_0, %dma_wait3A] : memref<4x10112x64xf32, #tpu.memory_space<hbm>> -> memref<1x626x64xf32, #tpu.memory_space<hbm>>
      %dma_wait3A_71 = tpu.memref_squeeze %dma_wait3A_70 : memref<1x626x64xf32, #tpu.memory_space<hbm>> -> memref<626x64xf32, #tpu.memory_space<hbm>>
      %dma_wait3A_72 = arith.constant 0 : i32
      %dma_wait3A_73 = tpu.memref_slice %arg13[%mul3A_0, %dma_wait3A_72] : memref<10016x64xf32, #tpu.memory_space<vmem_shared>> -> memref<626x64xf32, #tpu.memory_space<vmem_shared>>
      tpu.wait_dma2 semaphore(%run_scoped3A : memref<!tpu.dma_semaphore, #tpu.memory_space<semaphore_mem>>) src(%dma_wait3A_73 : memref<626x64xf32, #tpu.memory_space<vmem_shared>>) dst(%dma_wait3A_71 : memref<626x64xf32, #tpu.memory_space<hbm>>)
      tpu.yield
    }) : () -> ()
    %mul3A_36 = arith.constant 2 : i32
    %mul3A_37 = arith.muli %arg0, %mul3A_36 : i32
    %add3A_38 = arith.constant 1 : i32
    %add3A_39 = arith.addi %mul3A_37, %add3A_38 : i32
    "tpu.region"() ({
      %run_scoped3A = tpu.sem_alloc : memref<!tpu.dma_semaphore, #tpu.memory_space<semaphore_mem>>
      %dma_start3A_65 = arith.constant 0 : i32
      %dma_start3A_66 = tpu.memref_slice %arg13[%mul3A_0, %dma_start3A_65] : memref<10016x64xf32, #tpu.memory_space<vmem_shared>> -> memref<626x64xf32, #tpu.memory_space<vmem_shared>>
      %dma_start3A_67 = arith.constant 0 : i32
      %dma_start3A_68 = tpu.memref_slice %arg13[%mul3A_0, %dma_start3A_67] : memref<10016x64xf32, #tpu.memory_space<vmem_shared>> -> memref<626x64xf32, #tpu.memory_space<vmem_shared>>
      tpu.enqueue_dma source(%arg8 : memref<626x64xf32, #tpu.memory_space<vmem>>) target(%dma_start3A_68 : memref<626x64xf32, #tpu.memory_space<vmem_shared>>) target_semaphore(%run_scoped3A : memref<!tpu.dma_semaphore, #tpu.memory_space<semaphore_mem>>)
      %dma_wait3A = arith.constant 0 : i32
      %dma_wait3A_69 = tpu.memref_slice %arg13[%mul3A_0, %dma_wait3A] : memref<10016x64xf32, #tpu.memory_space<vmem_shared>> -> memref<626x64xf32, #tpu.memory_space<vmem_shared>>
      %dma_wait3A_70 = arith.constant 0 : i32
      %dma_wait3A_71 = tpu.memref_slice %arg13[%mul3A_0, %dma_wait3A_70] : memref<10016x64xf32, #tpu.memory_space<vmem_shared>> -> memref<626x64xf32, #tpu.memory_space<vmem_shared>>
      tpu.wait_dma2 semaphore(%run_scoped3A : memref<!tpu.dma_semaphore, #tpu.memory_space<semaphore_mem>>) src(%arg8 : memref<626x64xf32, #tpu.memory_space<vmem>>) dst(%dma_wait3A_71 : memref<626x64xf32, #tpu.memory_space<vmem_shared>>)
      tpu.yield
    }) : () -> ()
    %mul3A_40 = arith.constant 80 : i32
    %mul3A_41 = arith.muli %arg1, %mul3A_40 : i32
    "tpu.region"() ({
      %run_scoped3A = tpu.sem_alloc : memref<!tpu.dma_semaphore, #tpu.memory_space<semaphore_mem>>
      %dma_start3A_65 = arith.constant 0 : i32
      %dma_start3A_66 = tpu.memref_slice %arg3[%add3A_39, %mul3A_41, %dma_start3A_65] : memref<4x1280x128xi32, #tpu.memory_space<hbm>> -> memref<1x80x128xi32, #tpu.memory_space<hbm>>
      %dma_start3A_67 = tpu.memref_squeeze %dma_start3A_66 : memref<1x80x128xi32, #tpu.memory_space<hbm>> -> memref<80x128xi32, #tpu.memory_space<hbm>>
      %dma_start3A_68 = arith.constant 0 : i32
      %dma_start3A_69 = tpu.memref_slice %arg3[%add3A_39, %mul3A_41, %dma_start3A_68] : memref<4x1280x128xi32, #tpu.memory_space<hbm>> -> memref<1x80x128xi32, #tpu.memory_space<hbm>>
      %dma_start3A_70 = tpu.memref_squeeze %dma_start3A_69 : memref<1x80x128xi32, #tpu.memory_space<hbm>> -> memref<80x128xi32, #tpu.memory_space<hbm>>
      tpu.enqueue_dma source(%dma_start3A_70 : memref<80x128xi32, #tpu.memory_space<hbm>>) target(%arg6 : memref<80x128xi32, #tpu.memory_space<vmem>>) target_semaphore(%run_scoped3A : memref<!tpu.dma_semaphore, #tpu.memory_space<semaphore_mem>>)
      %dma_wait3A = arith.constant 0 : i32
      %dma_wait3A_71 = tpu.memref_slice %arg3[%add3A_39, %mul3A_41, %dma_wait3A] : memref<4x1280x128xi32, #tpu.memory_space<hbm>> -> memref<1x80x128xi32, #tpu.memory_space<hbm>>
      %dma_wait3A_72 = tpu.memref_squeeze %dma_wait3A_71 : memref<1x80x128xi32, #tpu.memory_space<hbm>> -> memref<80x128xi32, #tpu.memory_space<hbm>>
      %dma_wait3A_73 = arith.constant 0 : i32
      %dma_wait3A_74 = tpu.memref_slice %arg3[%add3A_39, %mul3A_41, %dma_wait3A_73] : memref<4x1280x128xi32, #tpu.memory_space<hbm>> -> memref<1x80x128xi32, #tpu.memory_space<hbm>>
      %dma_wait3A_75 = tpu.memref_squeeze %dma_wait3A_74 : memref<1x80x128xi32, #tpu.memory_space<hbm>> -> memref<80x128xi32, #tpu.memory_space<hbm>>
      tpu.wait_dma2 semaphore(%run_scoped3A : memref<!tpu.dma_semaphore, #tpu.memory_space<semaphore_mem>>) src(%dma_wait3A_75 : memref<80x128xi32, #tpu.memory_space<hbm>>) dst(%arg6 : memref<80x128xi32, #tpu.memory_space<vmem>>)
      tpu.yield
    }) : () -> ()
    %barrier3A_42 = arith.constant 0 : index
    tpu.barrier barrier_id(%barrier3A_42)
    %dma_start3A_43 = arith.constant 0 : i32
    %dma_start3A_44 = arith.constant 0 : i32
    %dma_start3A_45 = tpu.memref_slice %arg6[%dma_start3A_43, %dma_start3A_44] : memref<80x128xi32, #tpu.memory_space<vmem>> -> memref<1x128xi32, #tpu.memory_space<vmem>>
    %dma_start3A_46 = tpu.memref_squeeze %dma_start3A_45 : memref<1x128xi32, #tpu.memory_space<vmem>> -> memref<128xi32, #tpu.memory_space<vmem>>
    %dma_start3A_47 = arith.constant 0 : i32
    %dma_start3A_48 = arith.constant 0 : i32
    %dma_start3A_49 = tpu.memref_slice %arg2[%dma_start3A_47, %dma_start3A_48] : memref<40448x64xf32, #tpu.memory_space<hbm>> -> memref<40448x64xf32, #tpu.memory_space<hbm>>
    tpu.enqueue_indirect_dma source(%dma_start3A_49 : memref<40448x64xf32, #tpu.memory_space<hbm>>) target(%arg9 : memref<128x64xf32, #tpu.memory_space<vmem>>) offsets(%dma_start3A_46 : memref<128xi32, #tpu.memory_space<vmem>>) semaphore(%arg11 : memref<!tpu.dma_semaphore, #tpu.memory_space<semaphore_mem>>)
    %dma_start3A_50 = arith.constant 1 : i32
    %dma_start3A_51 = arith.constant 0 : i32
    %dma_start3A_52 = tpu.memref_slice %arg6[%dma_start3A_50, %dma_start3A_51] : memref<80x128xi32, #tpu.memory_space<vmem>> -> memref<1x128xi32, #tpu.memory_space<vmem>>
    %dma_start3A_53 = tpu.memref_squeeze %dma_start3A_52 : memref<1x128xi32, #tpu.memory_space<vmem>> -> memref<128xi32, #tpu.memory_space<vmem>>
    %dma_start3A_54 = arith.constant 0 : i32
    %dma_start3A_55 = arith.constant 0 : i32
    %dma_start3A_56 = tpu.memref_slice %arg2[%dma_start3A_54, %dma_start3A_55] : memref<40448x64xf32, #tpu.memory_space<hbm>> -> memref<40448x64xf32, #tpu.memory_space<hbm>>
    tpu.enqueue_indirect_dma source(%dma_start3A_56 : memref<40448x64xf32, #tpu.memory_space<hbm>>) target(%arg10 : memref<128x64xf32, #tpu.memory_space<vmem>>) offsets(%dma_start3A_53 : memref<128xi32, #tpu.memory_space<vmem>>) semaphore(%arg12 : memref<!tpu.dma_semaphore, #tpu.memory_space<semaphore_mem>>)
    %scan3A_57 = arith.constant 0 : i32
    %scan3A_58 = arith.constant 0 : i32
    %scan3A_59 = arith.constant 40 : i32
    %scan3A_60 = arith.addi %scan3A_58, %scan3A_59 : i32
    %scan3A_61 = arith.constant 1 : i32
    %scan3A_62 = scf.for %scan3A_65 = %scan3A_58 to %scan3A_60 step %scan3A_61 iter_args(%scan3A_66 = %scan3A_57) -> (i32)  : i32 {
      %mul3A_67 = arith.constant 2 : i32
      %mul3A_68 = arith.muli %mul3A_67, %scan3A_65 : i32
      %add3A_69 = arith.constant 0 : i32
      %add3A_70 = arith.addi %mul3A_68, %add3A_69 : i32
      %dma_wait3A = arith.constant 0 : i32
      %dma_wait3A_71 = tpu.memref_slice %arg6[%add3A_70, %dma_wait3A] : memref<80x128xi32, #tpu.memory_space<vmem>> -> memref<1x128xi32, #tpu.memory_space<vmem>>
      %dma_wait3A_72 = tpu.memref_squeeze %dma_wait3A_71 : memref<1x128xi32, #tpu.memory_space<vmem>> -> memref<128xi32, #tpu.memory_space<vmem>>
      %dma_wait3A_73 = arith.constant 0 : i32
      %dma_wait3A_74 = arith.constant 0 : i32
      %dma_wait3A_75 = tpu.memref_slice %arg2[%dma_wait3A_73, %dma_wait3A_74] : memref<40448x64xf32, #tpu.memory_space<hbm>> -> memref<40448x64xf32, #tpu.memory_space<hbm>>
      tpu.wait_indirect_dma semaphore(%arg11 : memref<!tpu.dma_semaphore, #tpu.memory_space<semaphore_mem>>) src(%dma_wait3A_75 : memref<40448x64xf32, #tpu.memory_space<hbm>>) dst(%arg9 : memref<128x64xf32, #tpu.memory_space<vmem>>)
      "tpu.region"() ({
        %run_scoped3A = tpu.sem_alloc : memref<!tpu.dma_semaphore, #tpu.memory_space<semaphore_mem>>
        %dma_start3A_92 = arith.constant 0 : i32
        %dma_start3A_93 = tpu.memref_slice %arg7[%add3A_70, %dma_start3A_92] : memref<80x128xi32, #tpu.memory_space<vmem>> -> memref<1x128xi32, #tpu.memory_space<vmem>>
        %dma_start3A_94 = tpu.memref_squeeze %dma_start3A_93 : memref<1x128xi32, #tpu.memory_space<vmem>> -> memref<128xi32, #tpu.memory_space<vmem>>
        %dma_start3A_95 = arith.constant 0 : i32
        %dma_start3A_96 = arith.constant 0 : i32
        %dma_start3A_97 = tpu.memref_slice %arg13[%dma_start3A_95, %dma_start3A_96] : memref<10016x64xf32, #tpu.memory_space<vmem_shared>> -> memref<10016x64xf32, #tpu.memory_space<vmem_shared>>
        tpu.enqueue_indirect_dma source(%arg9 : memref<128x64xf32, #tpu.memory_space<vmem>>) target(%dma_start3A_97 : memref<10016x64xf32, #tpu.memory_space<vmem_shared>>) offsets(%dma_start3A_94 : memref<128xi32, #tpu.memory_space<vmem>>) semaphore(%run_scoped3A : memref<!tpu.dma_semaphore, #tpu.memory_space<semaphore_mem>>) {add = true}
        %dma_wait3A_98 = arith.constant 0 : i32
        %dma_wait3A_99 = tpu.memref_slice %arg7[%add3A_70, %dma_wait3A_98] : memref<80x128xi32, #tpu.memory_space<vmem>> -> memref<1x128xi32, #tpu.memory_space<vmem>>
        %dma_wait3A_100 = tpu.memref_squeeze %dma_wait3A_99 : memref<1x128xi32, #tpu.memory_space<vmem>> -> memref<128xi32, #tpu.memory_space<vmem>>
        %dma_wait3A_101 = arith.constant 0 : i32
        %dma_wait3A_102 = arith.constant 0 : i32
        %dma_wait3A_103 = tpu.memref_slice %arg13[%dma_wait3A_101, %dma_wait3A_102] : memref<10016x64xf32, #tpu.memory_space<vmem_shared>> -> memref<10016x64xf32, #tpu.memory_space<vmem_shared>>
        tpu.wait_indirect_dma semaphore(%run_scoped3A : memref<!tpu.dma_semaphore, #tpu.memory_space<semaphore_mem>>) src(%arg9 : memref<128x64xf32, #tpu.memory_space<vmem>>) dst(%dma_wait3A_103 : memref<10016x64xf32, #tpu.memory_space<vmem_shared>>)
        tpu.yield
      }) : () -> ()
      %lt3A = arith.constant 39 : i32
      %lt3A_76 = arith.cmpi slt, %scan3A_65, %lt3A : i32
      %convert_element_type3A = arith.extui %lt3A_76 : i1 to i32
      %cond3A = arith.constant 0 : i32
      %cond3A_77 = arith.cmpi ne, %convert_element_type3A, %cond3A : i32
      scf.if %cond3A_77 {
        %add3A_92 = arith.constant 2 : i32
        %add3A_93 = arith.addi %add3A_70, %add3A_92 : i32
        %dma_start3A_94 = arith.constant 0 : i32
        %dma_start3A_95 = tpu.memref_slice %arg6[%add3A_93, %dma_start3A_94] : memref<80x128xi32, #tpu.memory_space<vmem>> -> memref<1x128xi32, #tpu.memory_space<vmem>>
        %dma_start3A_96 = tpu.memref_squeeze %dma_start3A_95 : memref<1x128xi32, #tpu.memory_space<vmem>> -> memref<128xi32, #tpu.memory_space<vmem>>
        %dma_start3A_97 = arith.constant 0 : i32
        %dma_start3A_98 = arith.constant 0 : i32
        %dma_start3A_99 = tpu.memref_slice %arg2[%dma_start3A_97, %dma_start3A_98] : memref<40448x64xf32, #tpu.memory_space<hbm>> -> memref<40448x64xf32, #tpu.memory_space<hbm>>
        tpu.enqueue_indirect_dma source(%dma_start3A_99 : memref<40448x64xf32, #tpu.memory_space<hbm>>) target(%arg9 : memref<128x64xf32, #tpu.memory_space<vmem>>) offsets(%dma_start3A_96 : memref<128xi32, #tpu.memory_space<vmem>>) semaphore(%arg11 : memref<!tpu.dma_semaphore, #tpu.memory_space<semaphore_mem>>)
      } else {
      }
      %add3A_78 = arith.constant 1 : i32
      %add3A_79 = arith.addi %mul3A_68, %add3A_78 : i32
      %dma_wait3A_80 = arith.constant 0 : i32
      %dma_wait3A_81 = tpu.memref_slice %arg6[%add3A_79, %dma_wait3A_80] : memref<80x128xi32, #tpu.memory_space<vmem>> -> memref<1x128xi32, #tpu.memory_space<vmem>>
      %dma_wait3A_82 = tpu.memref_squeeze %dma_wait3A_81 : memref<1x128xi32, #tpu.memory_space<vmem>> -> memref<128xi32, #tpu.memory_space<vmem>>
      %dma_wait3A_83 = arith.constant 0 : i32
      %dma_wait3A_84 = arith.constant 0 : i32
      %dma_wait3A_85 = tpu.memref_slice %arg2[%dma_wait3A_83, %dma_wait3A_84] : memref<40448x64xf32, #tpu.memory_space<hbm>> -> memref<40448x64xf32, #tpu.memory_space<hbm>>
      tpu.wait_indirect_dma semaphore(%arg12 : memref<!tpu.dma_semaphore, #tpu.memory_space<semaphore_mem>>) src(%dma_wait3A_85 : memref<40448x64xf32, #tpu.memory_space<hbm>>) dst(%arg10 : memref<128x64xf32, #tpu.memory_space<vmem>>)
      "tpu.region"() ({
        %run_scoped3A = tpu.sem_alloc : memref<!tpu.dma_semaphore, #tpu.memory_space<semaphore_mem>>
        %dma_start3A_92 = arith.constant 0 : i32
        %dma_start3A_93 = tpu.memref_slice %arg7[%add3A_79, %dma_start3A_92] : memref<80x128xi32, #tpu.memory_space<vmem>> -> memref<1x128xi32, #tpu.memory_space<vmem>>
        %dma_start3A_94 = tpu.memref_squeeze %dma_start3A_93 : memref<1x128xi32, #tpu.memory_space<vmem>> -> memref<128xi32, #tpu.memory_space<vmem>>
        %dma_start3A_95 = arith.constant 0 : i32
        %dma_start3A_96 = arith.constant 0 : i32
        %dma_start3A_97 = tpu.memref_slice %arg13[%dma_start3A_95, %dma_start3A_96] : memref<10016x64xf32, #tpu.memory_space<vmem_shared>> -> memref<10016x64xf32, #tpu.memory_space<vmem_shared>>
        tpu.enqueue_indirect_dma source(%arg10 : memref<128x64xf32, #tpu.memory_space<vmem>>) target(%dma_start3A_97 : memref<10016x64xf32, #tpu.memory_space<vmem_shared>>) offsets(%dma_start3A_94 : memref<128xi32, #tpu.memory_space<vmem>>) semaphore(%run_scoped3A : memref<!tpu.dma_semaphore, #tpu.memory_space<semaphore_mem>>) {add = true}
        %dma_wait3A_98 = arith.constant 0 : i32
        %dma_wait3A_99 = tpu.memref_slice %arg7[%add3A_79, %dma_wait3A_98] : memref<80x128xi32, #tpu.memory_space<vmem>> -> memref<1x128xi32, #tpu.memory_space<vmem>>
        %dma_wait3A_100 = tpu.memref_squeeze %dma_wait3A_99 : memref<1x128xi32, #tpu.memory_space<vmem>> -> memref<128xi32, #tpu.memory_space<vmem>>
        %dma_wait3A_101 = arith.constant 0 : i32
        %dma_wait3A_102 = arith.constant 0 : i32
        %dma_wait3A_103 = tpu.memref_slice %arg13[%dma_wait3A_101, %dma_wait3A_102] : memref<10016x64xf32, #tpu.memory_space<vmem_shared>> -> memref<10016x64xf32, #tpu.memory_space<vmem_shared>>
        tpu.wait_indirect_dma semaphore(%run_scoped3A : memref<!tpu.dma_semaphore, #tpu.memory_space<semaphore_mem>>) src(%arg10 : memref<128x64xf32, #tpu.memory_space<vmem>>) dst(%dma_wait3A_103 : memref<10016x64xf32, #tpu.memory_space<vmem_shared>>)
        tpu.yield
      }) : () -> ()
      %lt3A_86 = arith.constant 39 : i32
      %lt3A_87 = arith.cmpi slt, %scan3A_65, %lt3A_86 : i32
      %convert_element_type3A_88 = arith.extui %lt3A_87 : i1 to i32
      %cond3A_89 = arith.constant 0 : i32
      %cond3A_90 = arith.cmpi ne, %convert_element_type3A_88, %cond3A_89 : i32
      scf.if %cond3A_90 {
        %add3A_92 = arith.constant 2 : i32
        %add3A_93 = arith.addi %add3A_79, %add3A_92 : i32
        %dma_start3A_94 = arith.constant 0 : i32
        %dma_start3A_95 = tpu.memref_slice %arg6[%add3A_93, %dma_start3A_94] : memref<80x128xi32, #tpu.memory_space<vmem>> -> memref<1x128xi32, #tpu.memory_space<vmem>>
        %dma_start3A_96 = tpu.memref_squeeze %dma_start3A_95 : memref<1x128xi32, #tpu.memory_space<vmem>> -> memref<128xi32, #tpu.memory_space<vmem>>
        %dma_start3A_97 = arith.constant 0 : i32
        %dma_start3A_98 = arith.constant 0 : i32
        %dma_start3A_99 = tpu.memref_slice %arg2[%dma_start3A_97, %dma_start3A_98] : memref<40448x64xf32, #tpu.memory_space<hbm>> -> memref<40448x64xf32, #tpu.memory_space<hbm>>
        tpu.enqueue_indirect_dma source(%dma_start3A_99 : memref<40448x64xf32, #tpu.memory_space<hbm>>) target(%arg10 : memref<128x64xf32, #tpu.memory_space<vmem>>) offsets(%dma_start3A_96 : memref<128xi32, #tpu.memory_space<vmem>>) semaphore(%arg12 : memref<!tpu.dma_semaphore, #tpu.memory_space<semaphore_mem>>)
      } else {
      }
      %scan3A_91 = arith.constant 0 : i32
      scf.yield %scan3A_91 : i32
    }
    %scan3A_63 = arith.constant 40 : i32
    %barrier3A_64 = arith.constant 0 : index
    tpu.barrier barrier_id(%barrier3A_64)
    "tpu.region"() ({
      %run_scoped3A = tpu.sem_alloc : memref<!tpu.dma_semaphore, #tpu.memory_space<semaphore_mem>>
      %dma_start3A_65 = arith.constant 0 : i32
      %dma_start3A_66 = tpu.memref_slice %arg5[%add3A_39, %mul3A_0, %dma_start3A_65] : memref<4x10112x64xf32, #tpu.memory_space<hbm>> -> memref<1x626x64xf32, #tpu.memory_space<hbm>>
      %dma_start3A_67 = tpu.memref_squeeze %dma_start3A_66 : memref<1x626x64xf32, #tpu.memory_space<hbm>> -> memref<626x64xf32, #tpu.memory_space<hbm>>
      %dma_start3A_68 = arith.constant 0 : i32
      %dma_start3A_69 = tpu.memref_slice %arg13[%mul3A_0, %dma_start3A_68] : memref<10016x64xf32, #tpu.memory_space<vmem_shared>> -> memref<626x64xf32, #tpu.memory_space<vmem_shared>>
      tpu.enqueue_dma source(%dma_start3A_69 : memref<626x64xf32, #tpu.memory_space<vmem_shared>>) target(%dma_start3A_67 : memref<626x64xf32, #tpu.memory_space<hbm>>) target_semaphore(%run_scoped3A : memref<!tpu.dma_semaphore, #tpu.memory_space<semaphore_mem>>)
      %dma_wait3A = arith.constant 0 : i32
      %dma_wait3A_70 = tpu.memref_slice %arg5[%add3A_39, %mul3A_0, %dma_wait3A] : memref<4x10112x64xf32, #tpu.memory_space<hbm>> -> memref<1x626x64xf32, #tpu.memory_space<hbm>>
      %dma_wait3A_71 = tpu.memref_squeeze %dma_wait3A_70 : memref<1x626x64xf32, #tpu.memory_space<hbm>> -> memref<626x64xf32, #tpu.memory_space<hbm>>
      %dma_wait3A_72 = arith.constant 0 : i32
      %dma_wait3A_73 = tpu.memref_slice %arg13[%mul3A_0, %dma_wait3A_72] : memref<10016x64xf32, #tpu.memory_space<vmem_shared>> -> memref<626x64xf32, #tpu.memory_space<vmem_shared>>
      tpu.wait_dma2 semaphore(%run_scoped3A : memref<!tpu.dma_semaphore, #tpu.memory_space<semaphore_mem>>) src(%dma_wait3A_73 : memref<626x64xf32, #tpu.memory_space<vmem_shared>>) dst(%dma_wait3A_71 : memref<626x64xf32, #tpu.memory_space<hbm>>)
      tpu.yield
    }) : () -> ()
    return
  }
}

#map = affine_map<(d0, d1) -> (0, 0)>
#map1 = affine_map<(d0, d1) -> (0, 0, 0)>
module attributes {stable_mosaic.version = 14 : i64} {
  func.func @agg(%arg0: i32, %arg1: i32, %arg2: memref<40448x64xf32, #tpu.memory_space<hbm>>, %arg3: memref<4x1280x128xi32, #tpu.memory_space<hbm>>, %arg4: memref<1280x128xi32, #tpu.memory_space<hbm>>, %arg5: memref<4x10112x64xf32, #tpu.memory_space<hbm>>, %arg6: memref<80x128xi32, #tpu.memory_space<vmem>>, %arg7: memref<80x128xi32, #tpu.memory_space<vmem>>, %arg8: memref<626x64xf32, #tpu.memory_space<vmem>>, %arg9: memref<128x64xf32, #tpu.memory_space<vmem>>, %arg10: memref<128x64xf32, #tpu.memory_space<vmem>>, %arg11: memref<!tpu.dma_semaphore, #tpu.memory_space<semaphore_mem>>, %arg12: memref<!tpu.dma_semaphore, #tpu.memory_space<semaphore_mem>>, %arg13: memref<10016x64xf32, #tpu.memory_space<vmem_shared>>) attributes {dimension_semantics = [#tpu.dimension_semantics<core_parallel>, #tpu.dimension_semantics<subcore_parallel>], iteration_bounds = array<i64: 2, 16>, scalar_prefetch = 0 : i64, scratch_operands = 8 : i64, tpu.core_type = #tpu.core_type<sc_vector_subcore>, window_params = [{transform_indices = #map}, {transform_indices = #map1}, {transform_indices = #map}, {transform_indices = #map1}]} {
    %mul3A = arith.constant 626 : i32
    %mul3A_0 = arith.muli %arg1, %mul3A : i32
    %broadcast_in_dim3A = arith.constant 0.000000e+00 : f32
    %broadcast_in_dim3A_1 = vector.broadcast %broadcast_in_dim3A : f32 to vector<16xf32>
    %scan3A = arith.constant 0 : i32
    %scan3A_2 = arith.constant 0 : i32
    %scan3A_3 = arith.constant 626 : i32
    %scan3A_4 = arith.addi %scan3A_2, %scan3A_3 : i32
    %scan3A_5 = arith.constant 1 : i32
    %scan3A_6 = scf.for %scan3A_65 = %scan3A_2 to %scan3A_4 step %scan3A_5 iter_args(%scan3A_66 = %scan3A) -> (i32)  : i32 {
      %swap3A = arith.index_cast %scan3A_65 : i32 to index
      %swap3A_67 = arith.constant 0 : index
      %swap3A_68 = tpu.vector_load %arg8[%swap3A, %swap3A_67] {strides = array<i32>} : memref<626x64xf32, #tpu.memory_space<vmem>>, vector<1x16xf32>,
      %swap3A_69 = vector.shape_cast %swap3A_68 : vector<1x16xf32> to vector<16xf32>
      %swap3A_70 = vector.shape_cast %broadcast_in_dim3A_1 : vector<16xf32> to vector<1x16xf32>
      tpu.vector_store %arg8[%swap3A, %swap3A_67], %swap3A_70 {strides = array<i32>} : memref<626x64xf32, #tpu.memory_space<vmem>>, vector<1x16xf32>,
      %swap3A_71 = arith.index_cast %scan3A_65 : i32 to index
      %swap3A_72 = arith.constant 16 : index
      %swap3A_73 = tpu.vector_load %arg8[%swap3A_71, %swap3A_72] {strides = array<i32>} : memref<626x64xf32, #tpu.memory_space<vmem>>, vector<1x16xf32>,
      %swap3A_74 = vector.shape_cast %swap3A_73 : vector<1x16xf32> to vector<16xf32>
      %swap3A_75 = vector.shape_cast %broadcast_in_dim3A_1 : vector<16xf32> to vector<1x16xf32>
      tpu.vector_store %arg8[%swap3A_71, %swap3A_72], %swap3A_75 {strides = array<i32>} : memref<626x64xf32, #tpu.memory_space<vmem>>, vector<1x16xf32>,
      %swap3A_76 = arith.index_cast %scan3A_65 : i32 to index
      %swap3A_77 = arith.constant 32 : index
      %swap3A_78 = tpu.vector_load %arg8[%swap3A_76, %swap3A_77] {strides = array<i32>} : memref<626x64xf32, #tpu.memory_space<vmem>>, vector<1x16xf32>,
      %swap3A_79 = vector.shape_cast %swap3A_78 : vector<1x16xf32> to vector<16xf32>
      %swap3A_80 = vector.shape_cast %broadcast_in_dim3A_1 : vector<16xf32> to vector<1x16xf32>
      tpu.vector_store %arg8[%swap3A_76, %swap3A_77], %swap3A_80 {strides = array<i32>} : memref<626x64xf32, #tpu.memory_space<vmem>>, vector<1x16xf32>,
      %swap3A_81 = arith.index_cast %scan3A_65 : i32 to index
      %swap3A_82 = arith.constant 48 : index
      %swap3A_83 = tpu.vector_load %arg8[%swap3A_81, %swap3A_82] {strides = array<i32>} : memref<626x64xf32, #tpu.memory_space<vmem>>, vector<1x16xf32>,
      %swap3A_84 = vector.shape_cast %swap3A_83 : vector<1x16xf32> to vector<16xf32>
      %swap3A_85 = vector.shape_cast %broadcast_in_dim3A_1 : vector<16xf32> to vector<1x16xf32>
      tpu.vector_store %arg8[%swap3A_81, %swap3A_82], %swap3A_85 {strides = array<i32>} : memref<626x64xf32, #tpu.memory_space<vmem>>, vector<1x16xf32>,
      %scan3A_86 = arith.constant 0 : i32
      scf.yield %scan3A_86 : i32
    }
    %scan3A_7 = arith.constant 626 : i32
    %mul3A_8 = arith.constant 80 : i32
    %mul3A_9 = arith.muli %arg1, %mul3A_8 : i32
    "tpu.region"() ({
      %run_scoped3A = tpu.sem_alloc : memref<!tpu.dma_semaphore, #tpu.memory_space<semaphore_mem>>
      %dma_start3A_65 = arith.constant 0 : i32
      %dma_start3A_66 = tpu.memref_slice %arg4[%mul3A_9, %dma_start3A_65] : memref<1280x128xi32, #tpu.memory_space<hbm>> -> memref<80x128xi32, #tpu.memory_space<hbm>>
      %dma_start3A_67 = arith.constant 0 : i32
      %dma_start3A_68 = tpu.memref_slice %arg4[%mul3A_9, %dma_start3A_67] : memref<1280x128xi32, #tpu.memory_space<hbm>> -> memref<80x128xi32, #tpu.memory_space<hbm>>
      tpu.enqueue_dma source(%dma_start3A_68 : memref<80x128xi32, #tpu.memory_space<hbm>>) target(%arg7 : memref<80x128xi32, #tpu.memory_space<vmem>>) target_semaphore(%run_scoped3A : memref<!tpu.dma_semaphore, #tpu.memory_space<semaphore_mem>>)
      %dma_wait3A = arith.constant 0 : i32
      %dma_wait3A_69 = tpu.memref_slice %arg4[%mul3A_9, %dma_wait3A] : memref<1280x128xi32, #tpu.memory_space<hbm>> -> memref<80x128xi32, #tpu.memory_space<hbm>>
      %dma_wait3A_70 = arith.constant 0 : i32
      %dma_wait3A_71 = tpu.memref_slice %arg4[%mul3A_9, %dma_wait3A_70] : memref<1280x128xi32, #tpu.memory_space<hbm>> -> memref<80x128xi32, #tpu.memory_space<hbm>>
      tpu.wait_dma2 semaphore(%run_scoped3A : memref<!tpu.dma_semaphore, #tpu.memory_space<semaphore_mem>>) src(%dma_wait3A_71 : memref<80x128xi32, #tpu.memory_space<hbm>>) dst(%arg7 : memref<80x128xi32, #tpu.memory_space<vmem>>)
      tpu.yield
    }) : () -> ()
    %mul3A_10 = arith.constant 2 : i32
    %mul3A_11 = arith.muli %arg0, %mul3A_10 : i32
    %add3A = arith.constant 0 : i32
    %add3A_12 = arith.addi %mul3A_11, %add3A : i32
    "tpu.region"() ({
      %run_scoped3A = tpu.sem_alloc : memref<!tpu.dma_semaphore, #tpu.memory_space<semaphore_mem>>
      %dma_start3A_65 = arith.constant 0 : i32
      %dma_start3A_66 = tpu.memref_slice %arg13[%mul3A_0, %dma_start3A_65] : memref<10016x64xf32, #tpu.memory_space<vmem_shared>> -> memref<626x64xf32, #tpu.memory_space<vmem_shared>>
      %dma_start3A_67 = arith.constant 0 : i32
      %dma_start3A_68 = tpu.memref_slice %arg13[%mul3A_0, %dma_start3A_67] : memref<10016x64xf32, #tpu.memory_space<vmem_shared>> -> memref<626x64xf32, #tpu.memory_space<vmem_shared>>
      tpu.enqueue_dma source(%arg8 : memref<626x64xf32, #tpu.memory_space<vmem>>) target(%dma_start3A_68 : memref<626x64xf32, #tpu.memory_space<vmem_shared>>) target_semaphore(%run_scoped3A : memref<!tpu.dma_semaphore, #tpu.memory_space<semaphore_mem>>)
      %dma_wait3A = arith.constant 0 : i32
      %dma_wait3A_69 = tpu.memref_slice %arg13[%mul3A_0, %dma_wait3A] : memref<10016x64xf32, #tpu.memory_space<vmem_shared>> -> memref<626x64xf32, #tpu.memory_space<vmem_shared>>
      %dma_wait3A_70 = arith.constant 0 : i32
      %dma_wait3A_71 = tpu.memref_slice %arg13[%mul3A_0, %dma_wait3A_70] : memref<10016x64xf32, #tpu.memory_space<vmem_shared>> -> memref<626x64xf32, #tpu.memory_space<vmem_shared>>
      tpu.wait_dma2 semaphore(%run_scoped3A : memref<!tpu.dma_semaphore, #tpu.memory_space<semaphore_mem>>) src(%arg8 : memref<626x64xf32, #tpu.memory_space<vmem>>) dst(%dma_wait3A_71 : memref<626x64xf32, #tpu.memory_space<vmem_shared>>)
      tpu.yield
    }) : () -> ()
    %mul3A_13 = arith.constant 80 : i32
    %mul3A_14 = arith.muli %arg1, %mul3A_13 : i32
    "tpu.region"() ({
      %run_scoped3A = tpu.sem_alloc : memref<!tpu.dma_semaphore, #tpu.memory_space<semaphore_mem>>
      %dma_start3A_65 = arith.constant 0 : i32
      %dma_start3A_66 = tpu.memref_slice %arg3[%add3A_12, %mul3A_14, %dma_start3A_65] : memref<4x1280x128xi32, #tpu.memory_space<hbm>> -> memref<1x80x128xi32, #tpu.memory_space<hbm>>
      %dma_start3A_67 = tpu.memref_squeeze %dma_start3A_66 : memref<1x80x128xi32, #tpu.memory_space<hbm>> -> memref<80x128xi32, #tpu.memory_space<hbm>>
      %dma_start3A_68 = arith.constant 0 : i32
      %dma_start3A_69 = tpu.memref_slice %arg3[%add3A_12, %mul3A_14, %dma_start3A_68] : memref<4x1280x128xi32, #tpu.memory_space<hbm>> -> memref<1x80x128xi32, #tpu.memory_space<hbm>>
      %dma_start3A_70 = tpu.memref_squeeze %dma_start3A_69 : memref<1x80x128xi32, #tpu.memory_space<hbm>> -> memref<80x128xi32, #tpu.memory_space<hbm>>
      tpu.enqueue_dma source(%dma_start3A_70 : memref<80x128xi32, #tpu.memory_space<hbm>>) target(%arg6 : memref<80x128xi32, #tpu.memory_space<vmem>>) target_semaphore(%run_scoped3A : memref<!tpu.dma_semaphore, #tpu.memory_space<semaphore_mem>>)
      %dma_wait3A = arith.constant 0 : i32
      %dma_wait3A_71 = tpu.memref_slice %arg3[%add3A_12, %mul3A_14, %dma_wait3A] : memref<4x1280x128xi32, #tpu.memory_space<hbm>> -> memref<1x80x128xi32, #tpu.memory_space<hbm>>
      %dma_wait3A_72 = tpu.memref_squeeze %dma_wait3A_71 : memref<1x80x128xi32, #tpu.memory_space<hbm>> -> memref<80x128xi32, #tpu.memory_space<hbm>>
      %dma_wait3A_73 = arith.constant 0 : i32
      %dma_wait3A_74 = tpu.memref_slice %arg3[%add3A_12, %mul3A_14, %dma_wait3A_73] : memref<4x1280x128xi32, #tpu.memory_space<hbm>> -> memref<1x80x128xi32, #tpu.memory_space<hbm>>
      %dma_wait3A_75 = tpu.memref_squeeze %dma_wait3A_74 : memref<1x80x128xi32, #tpu.memory_space<hbm>> -> memref<80x128xi32, #tpu.memory_space<hbm>>
      tpu.wait_dma2 semaphore(%run_scoped3A : memref<!tpu.dma_semaphore, #tpu.memory_space<semaphore_mem>>) src(%dma_wait3A_75 : memref<80x128xi32, #tpu.memory_space<hbm>>) dst(%arg6 : memref<80x128xi32, #tpu.memory_space<vmem>>)
      tpu.yield
    }) : () -> ()
    %barrier3A = arith.constant 0 : index
    tpu.barrier barrier_id(%barrier3A)
    %dma_start3A = arith.constant 0 : i32
    %dma_start3A_15 = arith.constant 0 : i32
    %dma_start3A_16 = tpu.memref_slice %arg6[%dma_start3A, %dma_start3A_15] : memref<80x128xi32, #tpu.memory_space<vmem>> -> memref<1x128xi32, #tpu.memory_space<vmem>>
    %dma_start3A_17 = tpu.memref_squeeze %dma_start3A_16 : memref<1x128xi32, #tpu.memory_space<vmem>> -> memref<128xi32, #tpu.memory_space<vmem>>
    %dma_start3A_18 = arith.constant 0 : i32
    %dma_start3A_19 = arith.constant 0 : i32
    %dma_start3A_20 = tpu.memref_slice %arg2[%dma_start3A_18, %dma_start3A_19] : memref<40448x64xf32, #tpu.memory_space<hbm>> -> memref<40448x64xf32, #tpu.memory_space<hbm>>
    tpu.enqueue_indirect_dma source(%dma_start3A_20 : memref<40448x64xf32, #tpu.memory_space<hbm>>) target(%arg9 : memref<128x64xf32, #tpu.memory_space<vmem>>) offsets(%dma_start3A_17 : memref<128xi32, #tpu.memory_space<vmem>>) semaphore(%arg11 : memref<!tpu.dma_semaphore, #tpu.memory_space<semaphore_mem>>)
    %dma_start3A_21 = arith.constant 1 : i32
    %dma_start3A_22 = arith.constant 0 : i32
    %dma_start3A_23 = tpu.memref_slice %arg6[%dma_start3A_21, %dma_start3A_22] : memref<80x128xi32, #tpu.memory_space<vmem>> -> memref<1x128xi32, #tpu.memory_space<vmem>>
    %dma_start3A_24 = tpu.memref_squeeze %dma_start3A_23 : memref<1x128xi32, #tpu.memory_space<vmem>> -> memref<128xi32, #tpu.memory_space<vmem>>
    %dma_start3A_25 = arith.constant 0 : i32
    %dma_start3A_26 = arith.constant 0 : i32
    %dma_start3A_27 = tpu.memref_slice %arg2[%dma_start3A_25, %dma_start3A_26] : memref<40448x64xf32, #tpu.memory_space<hbm>> -> memref<40448x64xf32, #tpu.memory_space<hbm>>
    tpu.enqueue_indirect_dma source(%dma_start3A_27 : memref<40448x64xf32, #tpu.memory_space<hbm>>) target(%arg10 : memref<128x64xf32, #tpu.memory_space<vmem>>) offsets(%dma_start3A_24 : memref<128xi32, #tpu.memory_space<vmem>>) semaphore(%arg12 : memref<!tpu.dma_semaphore, #tpu.memory_space<semaphore_mem>>)
    %scan3A_28 = arith.constant 0 : i32
    %scan3A_29 = arith.constant 0 : i32
    %scan3A_30 = arith.constant 40 : i32
    %scan3A_31 = arith.addi %scan3A_29, %scan3A_30 : i32
    %scan3A_32 = arith.constant 1 : i32
    %scan3A_33 = scf.for %scan3A_65 = %scan3A_29 to %scan3A_31 step %scan3A_32 iter_args(%scan3A_66 = %scan3A_28) -> (i32)  : i32 {
      %mul3A_67 = arith.constant 2 : i32
      %mul3A_68 = arith.muli %mul3A_67, %scan3A_65 : i32
      %add3A_69 = arith.constant 0 : i32
      %add3A_70 = arith.addi %mul3A_68, %add3A_69 : i32
      %dma_wait3A = arith.constant 0 : i32
      %dma_wait3A_71 = tpu.memref_slice %arg6[%add3A_70, %dma_wait3A] : memref<80x128xi32, #tpu.memory_space<vmem>> -> memref<1x128xi32, #tpu.memory_space<vmem>>
      %dma_wait3A_72 = tpu.memref_squeeze %dma_wait3A_71 : memref<1x128xi32, #tpu.memory_space<vmem>> -> memref<128xi32, #tpu.memory_space<vmem>>
      %dma_wait3A_73 = arith.constant 0 : i32
      %dma_wait3A_74 = arith.constant 0 : i32
      %dma_wait3A_75 = tpu.memref_slice %arg2[%dma_wait3A_73, %dma_wait3A_74] : memref<40448x64xf32, #tpu.memory_space<hbm>> -> memref<40448x64xf32, #tpu.memory_space<hbm>>
      tpu.wait_indirect_dma semaphore(%arg11 : memref<!tpu.dma_semaphore, #tpu.memory_space<semaphore_mem>>) src(%dma_wait3A_75 : memref<40448x64xf32, #tpu.memory_space<hbm>>) dst(%arg9 : memref<128x64xf32, #tpu.memory_space<vmem>>)
      "tpu.region"() ({
        %run_scoped3A = tpu.sem_alloc : memref<!tpu.dma_semaphore, #tpu.memory_space<semaphore_mem>>
        %dma_start3A_92 = arith.constant 0 : i32
        %dma_start3A_93 = tpu.memref_slice %arg7[%add3A_70, %dma_start3A_92] : memref<80x128xi32, #tpu.memory_space<vmem>> -> memref<1x128xi32, #tpu.memory_space<vmem>>
        %dma_start3A_94 = tpu.memref_squeeze %dma_start3A_93 : memref<1x128xi32, #tpu.memory_space<vmem>> -> memref<128xi32, #tpu.memory_space<vmem>>
        %dma_start3A_95 = arith.constant 0 : i32
        %dma_start3A_96 = arith.constant 0 : i32
        %dma_start3A_97 = tpu.memref_slice %arg13[%dma_start3A_95, %dma_start3A_96] : memref<10016x64xf32, #tpu.memory_space<vmem_shared>> -> memref<10016x64xf32, #tpu.memory_space<vmem_shared>>
        tpu.enqueue_indirect_dma source(%arg9 : memref<128x64xf32, #tpu.memory_space<vmem>>) target(%dma_start3A_97 : memref<10016x64xf32, #tpu.memory_space<vmem_shared>>) offsets(%dma_start3A_94 : memref<128xi32, #tpu.memory_space<vmem>>) semaphore(%run_scoped3A : memref<!tpu.dma_semaphore, #tpu.memory_space<semaphore_mem>>) {add = true}
        %dma_wait3A_98 = arith.constant 0 : i32
        %dma_wait3A_99 = tpu.memref_slice %arg7[%add3A_70, %dma_wait3A_98] : memref<80x128xi32, #tpu.memory_space<vmem>> -> memref<1x128xi32, #tpu.memory_space<vmem>>
        %dma_wait3A_100 = tpu.memref_squeeze %dma_wait3A_99 : memref<1x128xi32, #tpu.memory_space<vmem>> -> memref<128xi32, #tpu.memory_space<vmem>>
        %dma_wait3A_101 = arith.constant 0 : i32
        %dma_wait3A_102 = arith.constant 0 : i32
        %dma_wait3A_103 = tpu.memref_slice %arg13[%dma_wait3A_101, %dma_wait3A_102] : memref<10016x64xf32, #tpu.memory_space<vmem_shared>> -> memref<10016x64xf32, #tpu.memory_space<vmem_shared>>
        tpu.wait_indirect_dma semaphore(%run_scoped3A : memref<!tpu.dma_semaphore, #tpu.memory_space<semaphore_mem>>) src(%arg9 : memref<128x64xf32, #tpu.memory_space<vmem>>) dst(%dma_wait3A_103 : memref<10016x64xf32, #tpu.memory_space<vmem_shared>>)
        tpu.yield
      }) : () -> ()
      %lt3A = arith.constant 39 : i32
      %lt3A_76 = arith.cmpi slt, %scan3A_65, %lt3A : i32
      %convert_element_type3A = arith.extui %lt3A_76 : i1 to i32
      %cond3A = arith.constant 0 : i32
      %cond3A_77 = arith.cmpi ne, %convert_element_type3A, %cond3A : i32
      scf.if %cond3A_77 {
        %add3A_92 = arith.constant 2 : i32
        %add3A_93 = arith.addi %add3A_70, %add3A_92 : i32
        %dma_start3A_94 = arith.constant 0 : i32
        %dma_start3A_95 = tpu.memref_slice %arg6[%add3A_93, %dma_start3A_94] : memref<80x128xi32, #tpu.memory_space<vmem>> -> memref<1x128xi32, #tpu.memory_space<vmem>>
        %dma_start3A_96 = tpu.memref_squeeze %dma_start3A_95 : memref<1x128xi32, #tpu.memory_space<vmem>> -> memref<128xi32, #tpu.memory_space<vmem>>
        %dma_start3A_97 = arith.constant 0 : i32
        %dma_start3A_98 = arith.constant 0 : i32
        %dma_start3A_99 = tpu.memref_slice %arg2[%dma_start3A_97, %dma_start3A_98] : memref<40448x64xf32, #tpu.memory_space<hbm>> -> memref<40448x64xf32, #tpu.memory_space<hbm>>
        tpu.enqueue_indirect_dma source(%dma_start3A_99 : memref<40448x64xf32, #tpu.memory_space<hbm>>) target(%arg9 : memref<128x64xf32, #tpu.memory_space<vmem>>) offsets(%dma_start3A_96 : memref<128xi32, #tpu.memory_space<vmem>>) semaphore(%arg11 : memref<!tpu.dma_semaphore, #tpu.memory_space<semaphore_mem>>)
      } else {
      }
      %add3A_78 = arith.constant 1 : i32
      %add3A_79 = arith.addi %mul3A_68, %add3A_78 : i32
      %dma_wait3A_80 = arith.constant 0 : i32
      %dma_wait3A_81 = tpu.memref_slice %arg6[%add3A_79, %dma_wait3A_80] : memref<80x128xi32, #tpu.memory_space<vmem>> -> memref<1x128xi32, #tpu.memory_space<vmem>>
      %dma_wait3A_82 = tpu.memref_squeeze %dma_wait3A_81 : memref<1x128xi32, #tpu.memory_space<vmem>> -> memref<128xi32, #tpu.memory_space<vmem>>
      %dma_wait3A_83 = arith.constant 0 : i32
      %dma_wait3A_84 = arith.constant 0 : i32
      %dma_wait3A_85 = tpu.memref_slice %arg2[%dma_wait3A_83, %dma_wait3A_84] : memref<40448x64xf32, #tpu.memory_space<hbm>> -> memref<40448x64xf32, #tpu.memory_space<hbm>>
      tpu.wait_indirect_dma semaphore(%arg12 : memref<!tpu.dma_semaphore, #tpu.memory_space<semaphore_mem>>) src(%dma_wait3A_85 : memref<40448x64xf32, #tpu.memory_space<hbm>>) dst(%arg10 : memref<128x64xf32, #tpu.memory_space<vmem>>)
      "tpu.region"() ({
        %run_scoped3A = tpu.sem_alloc : memref<!tpu.dma_semaphore, #tpu.memory_space<semaphore_mem>>
        %dma_start3A_92 = arith.constant 0 : i32
        %dma_start3A_93 = tpu.memref_slice %arg7[%add3A_79, %dma_start3A_92] : memref<80x128xi32, #tpu.memory_space<vmem>> -> memref<1x128xi32, #tpu.memory_space<vmem>>
        %dma_start3A_94 = tpu.memref_squeeze %dma_start3A_93 : memref<1x128xi32, #tpu.memory_space<vmem>> -> memref<128xi32, #tpu.memory_space<vmem>>
        %dma_start3A_95 = arith.constant 0 : i32
        %dma_start3A_96 = arith.constant 0 : i32
        %dma_start3A_97 = tpu.memref_slice %arg13[%dma_start3A_95, %dma_start3A_96] : memref<10016x64xf32, #tpu.memory_space<vmem_shared>> -> memref<10016x64xf32, #tpu.memory_space<vmem_shared>>
        tpu.enqueue_indirect_dma source(%arg10 : memref<128x64xf32, #tpu.memory_space<vmem>>) target(%dma_start3A_97 : memref<10016x64xf32, #tpu.memory_space<vmem_shared>>) offsets(%dma_start3A_94 : memref<128xi32, #tpu.memory_space<vmem>>) semaphore(%run_scoped3A : memref<!tpu.dma_semaphore, #tpu.memory_space<semaphore_mem>>) {add = true}
        %dma_wait3A_98 = arith.constant 0 : i32
        %dma_wait3A_99 = tpu.memref_slice %arg7[%add3A_79, %dma_wait3A_98] : memref<80x128xi32, #tpu.memory_space<vmem>> -> memref<1x128xi32, #tpu.memory_space<vmem>>
        %dma_wait3A_100 = tpu.memref_squeeze %dma_wait3A_99 : memref<1x128xi32, #tpu.memory_space<vmem>> -> memref<128xi32, #tpu.memory_space<vmem>>
        %dma_wait3A_101 = arith.constant 0 : i32
        %dma_wait3A_102 = arith.constant 0 : i32
        %dma_wait3A_103 = tpu.memref_slice %arg13[%dma_wait3A_101, %dma_wait3A_102] : memref<10016x64xf32, #tpu.memory_space<vmem_shared>> -> memref<10016x64xf32, #tpu.memory_space<vmem_shared>>
        tpu.wait_indirect_dma semaphore(%run_scoped3A : memref<!tpu.dma_semaphore, #tpu.memory_space<semaphore_mem>>) src(%arg10 : memref<128x64xf32, #tpu.memory_space<vmem>>) dst(%dma_wait3A_103 : memref<10016x64xf32, #tpu.memory_space<vmem_shared>>)
        tpu.yield
      }) : () -> ()
      %lt3A_86 = arith.constant 39 : i32
      %lt3A_87 = arith.cmpi slt, %scan3A_65, %lt3A_86 : i32
      %convert_element_type3A_88 = arith.extui %lt3A_87 : i1 to i32
      %cond3A_89 = arith.constant 0 : i32
      %cond3A_90 = arith.cmpi ne, %convert_element_type3A_88, %cond3A_89 : i32
      scf.if %cond3A_90 {
        %add3A_92 = arith.constant 2 : i32
        %add3A_93 = arith.addi %add3A_79, %add3A_92 : i32
        %dma_start3A_94 = arith.constant 0 : i32
        %dma_start3A_95 = tpu.memref_slice %arg6[%add3A_93, %dma_start3A_94] : memref<80x128xi32, #tpu.memory_space<vmem>> -> memref<1x128xi32, #tpu.memory_space<vmem>>
        %dma_start3A_96 = tpu.memref_squeeze %dma_start3A_95 : memref<1x128xi32, #tpu.memory_space<vmem>> -> memref<128xi32, #tpu.memory_space<vmem>>
        %dma_start3A_97 = arith.constant 0 : i32
        %dma_start3A_98 = arith.constant 0 : i32
        %dma_start3A_99 = tpu.memref_slice %arg2[%dma_start3A_97, %dma_start3A_98] : memref<40448x64xf32, #tpu.memory_space<hbm>> -> memref<40448x64xf32, #tpu.memory_space<hbm>>
        tpu.enqueue_indirect_dma source(%dma_start3A_99 : memref<40448x64xf32, #tpu.memory_space<hbm>>) target(%arg10 : memref<128x64xf32, #tpu.memory_space<vmem>>) offsets(%dma_start3A_96 : memref<128xi32, #tpu.memory_space<vmem>>) semaphore(%arg12 : memref<!tpu.dma_semaphore, #tpu.memory_space<semaphore_mem>>)
      } else {
      }
      %scan3A_91 = arith.constant 0 : i32
      scf.yield %scan3A_91 : i32
    }
    %scan3A_34 = arith.constant 40 : i32
    %barrier3A_35 = arith.constant 0 : index
    tpu.barrier barrier_id(%barrier3A_35)
    "tpu.region"() ({
      %run_scoped3A = tpu.sem_alloc : memref<!tpu.dma_semaphore, #tpu.memory_space<semaphore_mem>>
      %dma_start3A_65 = arith.constant 0 : i32
      %dma_start3A_66 = tpu.memref_slice %arg5[%add3A_12, %mul3A_0, %dma_start3A_65] : memref<4x10112x64xf32, #tpu.memory_space<hbm>> -> memref<1x626x64xf32, #tpu.memory_space<hbm>>
      %dma_start3A_67 = tpu.memref_squeeze %dma_start3A_66 : memref<1x626x64xf32, #tpu.memory_space<hbm>> -> memref<626x64xf32, #tpu.memory_space<hbm>>
      %dma_start3A_68 = arith.constant 0 : i32
      %dma_start3A_69 = tpu.memref_slice %arg13[%mul3A_0, %dma_start3A_68] : memref<10016x64xf32, #tpu.memory_space<vmem_shared>> -> memref<626x64xf32, #tpu.memory_space<vmem_shared>>
      tpu.enqueue_dma source(%dma_start3A_69 : memref<626x64xf32, #tpu.memory_space<vmem_shared>>) target(%dma_start3A_67 : memref<626x64xf32, #tpu.memory_space<hbm>>) target_semaphore(%run_scoped3A : memref<!tpu.dma_semaphore, #tpu.memory_space<semaphore_mem>>)
      %dma_wait3A = arith.constant 0 : i32
      %dma_wait3A_70 = tpu.memref_slice %arg5[%add3A_12, %mul3A_0, %dma_wait3A] : memref<4x10112x64xf32, #tpu.memory_space<hbm>> -> memref<1x626x64xf32, #tpu.memory_space<hbm>>
      %dma_wait3A_71 = tpu.memref_squeeze %dma_wait3A_70 : memref<1x626x64xf32, #tpu.memory_space<hbm>> -> memref<626x64xf32, #tpu.memory_space<hbm>>
      %dma_wait3A_72 = arith.constant 0 : i32
      %dma_wait3A_73 = tpu.memref_slice %arg13[%mul3A_0, %dma_wait3A_72] : memref<10016x64xf32, #tpu.memory_space<vmem_shared>> -> memref<626x64xf32, #tpu.memory_space<vmem_shared>>
      tpu.wait_dma2 semaphore(%run_scoped3A : memref<!tpu.dma_semaphore, #tpu.memory_space<semaphore_mem>>) src(%dma_wait3A_73 : memref<626x64xf32, #tpu.memory_space<vmem_shared>>) dst(%dma_wait3A_71 : memref<626x64xf32, #tpu.memory_space<hbm>>)
      tpu.yield
    }) : () -> ()
    %mul3A_36 = arith.constant 2 : i32
    %mul3A_37 = arith.muli %arg0, %mul3A_36 : i32
    %add3A_38 = arith.constant 1 : i32
    %add3A_39 = arith.addi %mul3A_37, %add3A_38 : i32
    "tpu.region"() ({
      %run_scoped3A = tpu.sem_alloc : memref<!tpu.dma_semaphore, #tpu.memory_space<semaphore_mem>>
      %dma_start3A_65 = arith.constant 0 : i32
      %dma_start3A_66 = tpu.memref_slice %arg13[%mul3A_0, %dma_start3A_65] : memref<10016x64xf32, #tpu.memory_space<vmem_shared>> -> memref<626x64xf32, #tpu.memory_space<vmem_shared>>
      %dma_start3A_67 = arith.constant 0 : i32
      %dma_start3A_68 = tpu.memref_slice %arg13[%mul3A_0, %dma_start3A_67] : memref<10016x64xf32, #tpu.memory_space<vmem_shared>> -> memref<626x64xf32, #tpu.memory_space<vmem_shared>>
      tpu.enqueue_dma source(%arg8 : memref<626x64xf32, #tpu.memory_space<vmem>>) target(%dma_start3A_68 : memref<626x64xf32, #tpu.memory_space<vmem_shared>>) target_semaphore(%run_scoped3A : memref<!tpu.dma_semaphore, #tpu.memory_space<semaphore_mem>>)
      %dma_wait3A = arith.constant 0 : i32
      %dma_wait3A_69 = tpu.memref_slice %arg13[%mul3A_0, %dma_wait3A] : memref<10016x64xf32, #tpu.memory_space<vmem_shared>> -> memref<626x64xf32, #tpu.memory_space<vmem_shared>>
      %dma_wait3A_70 = arith.constant 0 : i32
      %dma_wait3A_71 = tpu.memref_slice %arg13[%mul3A_0, %dma_wait3A_70] : memref<10016x64xf32, #tpu.memory_space<vmem_shared>> -> memref<626x64xf32, #tpu.memory_space<vmem_shared>>
      tpu.wait_dma2 semaphore(%run_scoped3A : memref<!tpu.dma_semaphore, #tpu.memory_space<semaphore_mem>>) src(%arg8 : memref<626x64xf32, #tpu.memory_space<vmem>>) dst(%dma_wait3A_71 : memref<626x64xf32, #tpu.memory_space<vmem_shared>>)
      tpu.yield
    }) : () -> ()
    %mul3A_40 = arith.constant 80 : i32
    %mul3A_41 = arith.muli %arg1, %mul3A_40 : i32
    "tpu.region"() ({
      %run_scoped3A = tpu.sem_alloc : memref<!tpu.dma_semaphore, #tpu.memory_space<semaphore_mem>>
      %dma_start3A_65 = arith.constant 0 : i32
      %dma_start3A_66 = tpu.memref_slice %arg3[%add3A_39, %mul3A_41, %dma_start3A_65] : memref<4x1280x128xi32, #tpu.memory_space<hbm>> -> memref<1x80x128xi32, #tpu.memory_space<hbm>>
      %dma_start3A_67 = tpu.memref_squeeze %dma_start3A_66 : memref<1x80x128xi32, #tpu.memory_space<hbm>> -> memref<80x128xi32, #tpu.memory_space<hbm>>
      %dma_start3A_68 = arith.constant 0 : i32
      %dma_start3A_69 = tpu.memref_slice %arg3[%add3A_39, %mul3A_41, %dma_start3A_68] : memref<4x1280x128xi32, #tpu.memory_space<hbm>> -> memref<1x80x128xi32, #tpu.memory_space<hbm>>
      %dma_start3A_70 = tpu.memref_squeeze %dma_start3A_69 : memref<1x80x128xi32, #tpu.memory_space<hbm>> -> memref<80x128xi32, #tpu.memory_space<hbm>>
      tpu.enqueue_dma source(%dma_start3A_70 : memref<80x128xi32, #tpu.memory_space<hbm>>) target(%arg6 : memref<80x128xi32, #tpu.memory_space<vmem>>) target_semaphore(%run_scoped3A : memref<!tpu.dma_semaphore, #tpu.memory_space<semaphore_mem>>)
      %dma_wait3A = arith.constant 0 : i32
      %dma_wait3A_71 = tpu.memref_slice %arg3[%add3A_39, %mul3A_41, %dma_wait3A] : memref<4x1280x128xi32, #tpu.memory_space<hbm>> -> memref<1x80x128xi32, #tpu.memory_space<hbm>>
      %dma_wait3A_72 = tpu.memref_squeeze %dma_wait3A_71 : memref<1x80x128xi32, #tpu.memory_space<hbm>> -> memref<80x128xi32, #tpu.memory_space<hbm>>
      %dma_wait3A_73 = arith.constant 0 : i32
      %dma_wait3A_74 = tpu.memref_slice %arg3[%add3A_39, %mul3A_41, %dma_wait3A_73] : memref<4x1280x128xi32, #tpu.memory_space<hbm>> -> memref<1x80x128xi32, #tpu.memory_space<hbm>>
      %dma_wait3A_75 = tpu.memref_squeeze %dma_wait3A_74 : memref<1x80x128xi32, #tpu.memory_space<hbm>> -> memref<80x128xi32, #tpu.memory_space<hbm>>
      tpu.wait_dma2 semaphore(%run_scoped3A : memref<!tpu.dma_semaphore, #tpu.memory_space<semaphore_mem>>) src(%dma_wait3A_75 : memref<80x128xi32, #tpu.memory_space<hbm>>) dst(%arg6 : memref<80x128xi32, #tpu.memory_space<vmem>>)
      tpu.yield
    }) : () -> ()
    %barrier3A_42 = arith.constant 0 : index
    tpu.barrier barrier_id(%barrier3A_42)
    %dma_start3A_43 = arith.constant 0 : i32
    %dma_start3A_44 = arith.constant 0 : i32
    %dma_start3A_45 = tpu.memref_slice %arg6[%dma_start3A_43, %dma_start3A_44] : memref<80x128xi32, #tpu.memory_space<vmem>> -> memref<1x128xi32, #tpu.memory_space<vmem>>
    %dma_start3A_46 = tpu.memref_squeeze %dma_start3A_45 : memref<1x128xi32, #tpu.memory_space<vmem>> -> memref<128xi32, #tpu.memory_space<vmem>>
    %dma_start3A_47 = arith.constant 0 : i32
    %dma_start3A_48 = arith.constant 0 : i32
    %dma_start3A_49 = tpu.memref_slice %arg2[%dma_start3A_47, %dma_start3A_48] : memref<40448x64xf32, #tpu.memory_space<hbm>> -> memref<40448x64xf32, #tpu.memory_space<hbm>>
    tpu.enqueue_indirect_dma source(%dma_start3A_49 : memref<40448x64xf32, #tpu.memory_space<hbm>>) target(%arg9 : memref<128x64xf32, #tpu.memory_space<vmem>>) offsets(%dma_start3A_46 : memref<128xi32, #tpu.memory_space<vmem>>) semaphore(%arg11 : memref<!tpu.dma_semaphore, #tpu.memory_space<semaphore_mem>>)
    %dma_start3A_50 = arith.constant 1 : i32
    %dma_start3A_51 = arith.constant 0 : i32
    %dma_start3A_52 = tpu.memref_slice %arg6[%dma_start3A_50, %dma_start3A_51] : memref<80x128xi32, #tpu.memory_space<vmem>> -> memref<1x128xi32, #tpu.memory_space<vmem>>
    %dma_start3A_53 = tpu.memref_squeeze %dma_start3A_52 : memref<1x128xi32, #tpu.memory_space<vmem>> -> memref<128xi32, #tpu.memory_space<vmem>>
    %dma_start3A_54 = arith.constant 0 : i32
    %dma_start3A_55 = arith.constant 0 : i32
    %dma_start3A_56 = tpu.memref_slice %arg2[%dma_start3A_54, %dma_start3A_55] : memref<40448x64xf32, #tpu.memory_space<hbm>> -> memref<40448x64xf32, #tpu.memory_space<hbm>>
    tpu.enqueue_indirect_dma source(%dma_start3A_56 : memref<40448x64xf32, #tpu.memory_space<hbm>>) target(%arg10 : memref<128x64xf32, #tpu.memory_space<vmem>>) offsets(%dma_start3A_53 : memref<128xi32, #tpu.memory_space<vmem>>) semaphore(%arg12 : memref<!tpu.dma_semaphore, #tpu.memory_space<semaphore_mem>>)
    %scan3A_57 = arith.constant 0 : i32
    %scan3A_58 = arith.constant 0 : i32
    %scan3A_59 = arith.constant 40 : i32
    %scan3A_60 = arith.addi %scan3A_58, %scan3A_59 : i32
    %scan3A_61 = arith.constant 1 : i32
    %scan3A_62 = scf.for %scan3A_65 = %scan3A_58 to %scan3A_60 step %scan3A_61 iter_args(%scan3A_66 = %scan3A_57) -> (i32)  : i32 {
      %mul3A_67 = arith.constant 2 : i32
      %mul3A_68 = arith.muli %mul3A_67, %scan3A_65 : i32
      %add3A_69 = arith.constant 0 : i32
      %add3A_70 = arith.addi %mul3A_68, %add3A_69 : i32
      %dma_wait3A = arith.constant 0 : i32
      %dma_wait3A_71 = tpu.memref_slice %arg6[%add3A_70, %dma_wait3A] : memref<80x128xi32, #tpu.memory_space<vmem>> -> memref<1x128xi32, #tpu.memory_space<vmem>>
      %dma_wait3A_72 = tpu.memref_squeeze %dma_wait3A_71 : memref<1x128xi32, #tpu.memory_space<vmem>> -> memref<128xi32, #tpu.memory_space<vmem>>
      %dma_wait3A_73 = arith.constant 0 : i32
      %dma_wait3A_74 = arith.constant 0 : i32
      %dma_wait3A_75 = tpu.memref_slice %arg2[%dma_wait3A_73, %dma_wait3A_74] : memref<40448x64xf32, #tpu.memory_space<hbm>> -> memref<40448x64xf32, #tpu.memory_space<hbm>>
      tpu.wait_indirect_dma semaphore(%arg11 : memref<!tpu.dma_semaphore, #tpu.memory_space<semaphore_mem>>) src(%dma_wait3A_75 : memref<40448x64xf32, #tpu.memory_space<hbm>>) dst(%arg9 : memref<128x64xf32, #tpu.memory_space<vmem>>)
      "tpu.region"() ({
        %run_scoped3A = tpu.sem_alloc : memref<!tpu.dma_semaphore, #tpu.memory_space<semaphore_mem>>
        %dma_start3A_92 = arith.constant 0 : i32
        %dma_start3A_93 = tpu.memref_slice %arg7[%add3A_70, %dma_start3A_92] : memref<80x128xi32, #tpu.memory_space<vmem>> -> memref<1x128xi32, #tpu.memory_space<vmem>>
        %dma_start3A_94 = tpu.memref_squeeze %dma_start3A_93 : memref<1x128xi32, #tpu.memory_space<vmem>> -> memref<128xi32, #tpu.memory_space<vmem>>
        %dma_start3A_95 = arith.constant 0 : i32
        %dma_start3A_96 = arith.constant 0 : i32
        %dma_start3A_97 = tpu.memref_slice %arg13[%dma_start3A_95, %dma_start3A_96] : memref<10016x64xf32, #tpu.memory_space<vmem_shared>> -> memref<10016x64xf32, #tpu.memory_space<vmem_shared>>
        tpu.enqueue_indirect_dma source(%arg9 : memref<128x64xf32, #tpu.memory_space<vmem>>) target(%dma_start3A_97 : memref<10016x64xf32, #tpu.memory_space<vmem_shared>>) offsets(%dma_start3A_94 : memref<128xi32, #tpu.memory_space<vmem>>) semaphore(%run_scoped3A : memref<!tpu.dma_semaphore, #tpu.memory_space<semaphore_mem>>) {add = true}
        %dma_wait3A_98 = arith.constant 0 : i32
        %dma_wait3A_99 = tpu.memref_slice %arg7[%add3A_70, %dma_wait3A_98] : memref<80x128xi32, #tpu.memory_space<vmem>> -> memref<1x128xi32, #tpu.memory_space<vmem>>
        %dma_wait3A_100 = tpu.memref_squeeze %dma_wait3A_99 : memref<1x128xi32, #tpu.memory_space<vmem>> -> memref<128xi32, #tpu.memory_space<vmem>>
        %dma_wait3A_101 = arith.constant 0 : i32
        %dma_wait3A_102 = arith.constant 0 : i32
        %dma_wait3A_103 = tpu.memref_slice %arg13[%dma_wait3A_101, %dma_wait3A_102] : memref<10016x64xf32, #tpu.memory_space<vmem_shared>> -> memref<10016x64xf32, #tpu.memory_space<vmem_shared>>
        tpu.wait_indirect_dma semaphore(%run_scoped3A : memref<!tpu.dma_semaphore, #tpu.memory_space<semaphore_mem>>) src(%arg9 : memref<128x64xf32, #tpu.memory_space<vmem>>) dst(%dma_wait3A_103 : memref<10016x64xf32, #tpu.memory_space<vmem_shared>>)
        tpu.yield
      }) : () -> ()
      %lt3A = arith.constant 39 : i32
      %lt3A_76 = arith.cmpi slt, %scan3A_65, %lt3A : i32
      %convert_element_type3A = arith.extui %lt3A_76 : i1 to i32
      %cond3A = arith.constant 0 : i32
      %cond3A_77 = arith.cmpi ne, %convert_element_type3A, %cond3A : i32
      scf.if %cond3A_77 {
        %add3A_92 = arith.constant 2 : i32
        %add3A_93 = arith.addi %add3A_70, %add3A_92 : i32
        %dma_start3A_94 = arith.constant 0 : i32
        %dma_start3A_95 = tpu.memref_slice %arg6[%add3A_93, %dma_start3A_94] : memref<80x128xi32, #tpu.memory_space<vmem>> -> memref<1x128xi32, #tpu.memory_space<vmem>>
        %dma_start3A_96 = tpu.memref_squeeze %dma_start3A_95 : memref<1x128xi32, #tpu.memory_space<vmem>> -> memref<128xi32, #tpu.memory_space<vmem>>
        %dma_start3A_97 = arith.constant 0 : i32
        %dma_start3A_98 = arith.constant 0 : i32
        %dma_start3A_99 = tpu.memref_slice %arg2[%dma_start3A_97, %dma_start3A_98] : memref<40448x64xf32, #tpu.memory_space<hbm>> -> memref<40448x64xf32, #tpu.memory_space<hbm>>
        tpu.enqueue_indirect_dma source(%dma_start3A_99 : memref<40448x64xf32, #tpu.memory_space<hbm>>) target(%arg9 : memref<128x64xf32, #tpu.memory_space<vmem>>) offsets(%dma_start3A_96 : memref<128xi32, #tpu.memory_space<vmem>>) semaphore(%arg11 : memref<!tpu.dma_semaphore, #tpu.memory_space<semaphore_mem>>)
      } else {
      }
      %add3A_78 = arith.constant 1 : i32
      %add3A_79 = arith.addi %mul3A_68, %add3A_78 : i32
      %dma_wait3A_80 = arith.constant 0 : i32
      %dma_wait3A_81 = tpu.memref_slice %arg6[%add3A_79, %dma_wait3A_80] : memref<80x128xi32, #tpu.memory_space<vmem>> -> memref<1x128xi32, #tpu.memory_space<vmem>>
      %dma_wait3A_82 = tpu.memref_squeeze %dma_wait3A_81 : memref<1x128xi32, #tpu.memory_space<vmem>> -> memref<128xi32, #tpu.memory_space<vmem>>
      %dma_wait3A_83 = arith.constant 0 : i32
      %dma_wait3A_84 = arith.constant 0 : i32
      %dma_wait3A_85 = tpu.memref_slice %arg2[%dma_wait3A_83, %dma_wait3A_84] : memref<40448x64xf32, #tpu.memory_space<hbm>> -> memref<40448x64xf32, #tpu.memory_space<hbm>>
      tpu.wait_indirect_dma semaphore(%arg12 : memref<!tpu.dma_semaphore, #tpu.memory_space<semaphore_mem>>) src(%dma_wait3A_85 : memref<40448x64xf32, #tpu.memory_space<hbm>>) dst(%arg10 : memref<128x64xf32, #tpu.memory_space<vmem>>)
      "tpu.region"() ({
        %run_scoped3A = tpu.sem_alloc : memref<!tpu.dma_semaphore, #tpu.memory_space<semaphore_mem>>
        %dma_start3A_92 = arith.constant 0 : i32
        %dma_start3A_93 = tpu.memref_slice %arg7[%add3A_79, %dma_start3A_92] : memref<80x128xi32, #tpu.memory_space<vmem>> -> memref<1x128xi32, #tpu.memory_space<vmem>>
        %dma_start3A_94 = tpu.memref_squeeze %dma_start3A_93 : memref<1x128xi32, #tpu.memory_space<vmem>> -> memref<128xi32, #tpu.memory_space<vmem>>
        %dma_start3A_95 = arith.constant 0 : i32
        %dma_start3A_96 = arith.constant 0 : i32
        %dma_start3A_97 = tpu.memref_slice %arg13[%dma_start3A_95, %dma_start3A_96] : memref<10016x64xf32, #tpu.memory_space<vmem_shared>> -> memref<10016x64xf32, #tpu.memory_space<vmem_shared>>
        tpu.enqueue_indirect_dma source(%arg10 : memref<128x64xf32, #tpu.memory_space<vmem>>) target(%dma_start3A_97 : memref<10016x64xf32, #tpu.memory_space<vmem_shared>>) offsets(%dma_start3A_94 : memref<128xi32, #tpu.memory_space<vmem>>) semaphore(%run_scoped3A : memref<!tpu.dma_semaphore, #tpu.memory_space<semaphore_mem>>) {add = true}
        %dma_wait3A_98 = arith.constant 0 : i32
        %dma_wait3A_99 = tpu.memref_slice %arg7[%add3A_79, %dma_wait3A_98] : memref<80x128xi32, #tpu.memory_space<vmem>> -> memref<1x128xi32, #tpu.memory_space<vmem>>
        %dma_wait3A_100 = tpu.memref_squeeze %dma_wait3A_99 : memref<1x128xi32, #tpu.memory_space<vmem>> -> memref<128xi32, #tpu.memory_space<vmem>>
        %dma_wait3A_101 = arith.constant 0 : i32
        %dma_wait3A_102 = arith.constant 0 : i32
        %dma_wait3A_103 = tpu.memref_slice %arg13[%dma_wait3A_101, %dma_wait3A_102] : memref<10016x64xf32, #tpu.memory_space<vmem_shared>> -> memref<10016x64xf32, #tpu.memory_space<vmem_shared>>
        tpu.wait_indirect_dma semaphore(%run_scoped3A : memref<!tpu.dma_semaphore, #tpu.memory_space<semaphore_mem>>) src(%arg10 : memref<128x64xf32, #tpu.memory_space<vmem>>) dst(%dma_wait3A_103 : memref<10016x64xf32, #tpu.memory_space<vmem_shared>>)
        tpu.yield
      }) : () -> ()
      %lt3A_86 = arith.constant 39 : i32
      %lt3A_87 = arith.cmpi slt, %scan3A_65, %lt3A_86 : i32
      %convert_element_type3A_88 = arith.extui %lt3A_87 : i1 to i32
      %cond3A_89 = arith.constant 0 : i32
      %cond3A_90 = arith.cmpi ne, %convert_element_type3A_88, %cond3A_89 : i32
      scf.if %cond3A_90 {
        %add3A_92 = arith.constant 2 : i32
        %add3A_93 = arith.addi %add3A_79, %add3A_92 : i32
        %dma_start3A_94 = arith.constant 0 : i32
        %dma_start3A_95 = tpu.memref_slice %arg6[%add3A_93, %dma_start3A_94] : memref<80x128xi32, #tpu.memory_space<vmem>> -> memref<1x128xi32, #tpu.memory_space<vmem>>
        %dma_start3A_96 = tpu.memref_squeeze %dma_start3A_95 : memref<1x128xi32, #tpu.memory_space<vmem>> -> memref<128xi32, #tpu.memory_space<vmem>>
        %dma_start3A_97 = arith.constant 0 : i32
        %dma_start3A_98 = arith.constant 0 : i32
        %dma_start3A_99 = tpu.memref_slice %arg2[%dma_start3A_97, %dma_start3A_98] : memref<40448x64xf32, #tpu.memory_space<hbm>> -> memref<40448x64xf32, #tpu.memory_space<hbm>>
        tpu.enqueue_indirect_dma source(%dma_start3A_99 : memref<40448x64xf32, #tpu.memory_space<hbm>>) target(%arg10 : memref<128x64xf32, #tpu.memory_space<vmem>>) offsets(%dma_start3A_96 : memref<128xi32, #tpu.memory_space<vmem>>) semaphore(%arg12 : memref<!tpu.dma_semaphore, #tpu.memory_space<semaphore_mem>>)
      } else {
      }
      %scan3A_91 = arith.constant 0 : i32
      scf.yield %scan3A_91 : i32
    }
    %scan3A_63 = arith.constant 40 : i32
    %barrier3A_64 = arith.constant 0 : index
    tpu.barrier barrier_id(%barrier3A_64)
    "tpu.region"() ({
      %run_scoped3A = tpu.sem_alloc : memref<!tpu.dma_semaphore, #tpu.memory_space<semaphore_mem>>
      %dma_start3A_65 = arith.constant 0 : i32
      %dma_start3A_66 = tpu.memref_slice %arg5[%add3A_39, %mul3A_0, %dma_start3A_65] : memref<4x10112x64xf32, #tpu.memory_space<hbm>> -> memref<1x626x64xf32, #tpu.memory_space<hbm>>
      %dma_start3A_67 = tpu.memref_squeeze %dma_start3A_66 : memref<1x626x64xf32, #tpu.memory_space<hbm>> -> memref<626x64xf32, #tpu.memory_space<hbm>>
      %dma_start3A_68 = arith.constant 0 : i32
      %dma_start3A_69 = tpu.memref_slice %arg13[%mul3A_0, %dma_start3A_68] : memref<10016x64xf32, #tpu.memory_space<vmem_shared>> -> memref<626x64xf32, #tpu.memory_space<vmem_shared>>
      tpu.enqueue_dma source(%dma_start3A_69 : memref<626x64xf32, #tpu.memory_space<vmem_shared>>) target(%dma_start3A_67 : memref<626x64xf32, #tpu.memory_space<hbm>>) target_semaphore(%run_scoped3A : memref<!tpu.dma_semaphore, #tpu.memory_space<semaphore_mem>>)
      %dma_wait3A = arith.constant 0 : i32
      %dma_wait3A_70 = tpu.memref_slice %arg5[%add3A_39, %mul3A_0, %dma_wait3A] : memref<4x10112x64xf32, #tpu.memory_space<hbm>> -> memref<1x626x64xf32, #tpu.memory_space<hbm>>
      %dma_wait3A_71 = tpu.memref_squeeze %dma_wait3A_70 : memref<1x626x64xf32, #tpu.memory_space<hbm>> -> memref<626x64xf32, #tpu.memory_space<hbm>>
      %dma_wait3A_72 = arith.constant 0 : i32
      %dma_wait3A_73 = tpu.memref_slice %arg13[%mul3A_0, %dma_wait3A_72] : memref<10016x64xf32, #tpu.memory_space<vmem_shared>> -> memref<626x64xf32, #tpu.memory_space<vmem_shared>>
      tpu.wait_dma2 semaphore(%run_scoped3A : memref<!tpu.dma_semaphore, #tpu.memory_space<semaphore_mem>>) src(%dma_wait3A_73 : memref<626x64xf32, #tpu.memory_space<vmem_shared>>) dst(%dma_wait3A_71 : memref<626x64xf32, #tpu.memory_space<hbm>>)
      tpu.yield
    }) : () -> ()
    return
  }
}

module attributes {stable_mosaic.version = 14 : i64} {
  func.func @_prep_body(%arg0: i32, %arg1: memref<256x256xf32, #tpu.memory_space<vmem>>, %arg2: memref<256x1xf32, #tpu.memory_space<vmem>>, %arg3: memref<256x1xf32, #tpu.memory_space<vmem>>, %arg4: memref<4x256x64xf32, #tpu.memory_space<vmem>>, %arg5: memref<256x1xf32, #tpu.memory_space<vmem>>, %arg6: memref<256x1xf32, #tpu.memory_space<vmem>>) attributes {dimension_semantics = [#tpu.dimension_semantics<arbitrary>], iteration_bounds = array<i64: 40>, scalar_prefetch = 0 : i64, scratch_operands = 0 : i64, tpu.core_type = #tpu.core_type<tc>, window_params = [{transform_indices = @transform_0, window_bounds = array<i64: 256, 256>}, {transform_indices = @transform_1, window_bounds = array<i64: 256, 1>}, {transform_indices = @transform_2, window_bounds = array<i64: 256, 1>}, {transform_indices = @transform_3, window_bounds = array<i64: 4, 256, 64>}, {transform_indices = @transform_4, window_bounds = array<i64: 256, 1>}, {transform_indices = @transform_5, window_bounds = array<i64: 256, 1>}]} {
    %get3A = arith.constant 0 : index
    %get3A_0 = arith.constant 0 : index
    %get3A_1 = vector.load %arg2[%get3A, %get3A_0] : memref<256x1xf32, #tpu.memory_space<vmem>>, vector<256x1xf32>
    %max3A = arith.constant 1.000000e+00 : f32
    %max3A_2 = vector.broadcast %max3A : f32 to vector<256x1xf32>
    %max3A_3 = arith.maximumf %get3A_1, %max3A_2 : vector<256x1xf32>
    %rsqrt3A = math.rsqrt %max3A_3 : vector<256x1xf32>
    %get3A_4 = arith.constant 0 : index
    %get3A_5 = arith.constant 0 : index
    %get3A_6 = vector.load %arg3[%get3A_4, %get3A_5] : memref<256x1xf32, #tpu.memory_space<vmem>>, vector<256x1xf32>
    %max3A_7 = arith.constant 1.000000e+00 : f32
    %max3A_8 = vector.broadcast %max3A_7 : f32 to vector<256x1xf32>
    %max3A_9 = arith.maximumf %get3A_6, %max3A_8 : vector<256x1xf32>
    %rsqrt3A_10 = math.rsqrt %max3A_9 : vector<256x1xf32>
    %swap3A = arith.constant 0 : index
    %swap3A_11 = arith.constant 0 : index
    %swap3A_12 = vector.load %arg6[%swap3A, %swap3A_11] : memref<256x1xf32, #tpu.memory_space<vmem>>, vector<256x1xf32>
    tpu.vector_store %arg6[%swap3A, %swap3A_11], %rsqrt3A {strides = array<i32>} : memref<256x1xf32, #tpu.memory_space<vmem>>, vector<256x1xf32>,
    %swap3A_13 = arith.constant 0 : index
    %swap3A_14 = arith.constant 0 : index
    %swap3A_15 = vector.load %arg5[%swap3A_13, %swap3A_14] : memref<256x1xf32, #tpu.memory_space<vmem>>, vector<256x1xf32>
    tpu.vector_store %arg5[%swap3A_13, %swap3A_14], %rsqrt3A_10 {strides = array<i32>} : memref<256x1xf32, #tpu.memory_space<vmem>>, vector<256x1xf32>,
    %get3A_16 = arith.constant 0 : index
    %get3A_17 = arith.constant 0 : index
    %get3A_18 = vector.load %arg1[%get3A_16, %get3A_17] : memref<256x256xf32, #tpu.memory_space<vmem>>, vector<256x256xf32>
    %mul3A = vector.broadcast %rsqrt3A : vector<256x1xf32> to vector<256x256xf32>
    %mul3A_19 = arith.mulf %get3A_18, %mul3A : vector<256x256xf32>
    %slice3A = vector.extract_strided_slice %mul3A_19 {offsets = [0, 0], sizes = [256, 64], strides = [1, 1]} : vector<256x256xf32> to vector<256x64xf32>
    %swap3A_20 = arith.constant 0 : index
    %swap3A_21 = arith.constant 0 : index
    %swap3A_22 = arith.constant 0 : index
    %swap3A_23 = vector.load %arg4[%swap3A_20, %swap3A_21, %swap3A_22] : memref<4x256x64xf32, #tpu.memory_space<vmem>>, vector<1x256x64xf32>
    %swap3A_24 = vector.shape_cast %swap3A_23 : vector<1x256x64xf32> to vector<256x64xf32>
    %swap3A_25 = vector.shape_cast %slice3A : vector<256x64xf32> to vector<1x256x64xf32>
    tpu.vector_store %arg4[%swap3A_20, %swap3A_21, %swap3A_22], %swap3A_25 {strides = array<i32>} : memref<4x256x64xf32, #tpu.memory_space<vmem>>, vector<1x256x64xf32>,
    %slice3A_26 = vector.extract_strided_slice %mul3A_19 {offsets = [0, 64], sizes = [256, 64], strides = [1, 1]} : vector<256x256xf32> to vector<256x64xf32>
    %swap3A_27 = arith.constant 1 : index
    %swap3A_28 = arith.constant 0 : index
    %swap3A_29 = arith.constant 0 : index
    %swap3A_30 = vector.load %arg4[%swap3A_27, %swap3A_28, %swap3A_29] : memref<4x256x64xf32, #tpu.memory_space<vmem>>, vector<1x256x64xf32>
    %swap3A_31 = vector.shape_cast %swap3A_30 : vector<1x256x64xf32> to vector<256x64xf32>
    %swap3A_32 = vector.shape_cast %slice3A_26 : vector<256x64xf32> to vector<1x256x64xf32>
    tpu.vector_store %arg4[%swap3A_27, %swap3A_28, %swap3A_29], %swap3A_32 {strides = array<i32>} : memref<4x256x64xf32, #tpu.memory_space<vmem>>, vector<1x256x64xf32>,
    %slice3A_33 = vector.extract_strided_slice %mul3A_19 {offsets = [0, 128], sizes = [256, 64], strides = [1, 1]} : vector<256x256xf32> to vector<256x64xf32>
    %swap3A_34 = arith.constant 2 : index
    %swap3A_35 = arith.constant 0 : index
    %swap3A_36 = arith.constant 0 : index
    %swap3A_37 = vector.load %arg4[%swap3A_34, %swap3A_35, %swap3A_36] : memref<4x256x64xf32, #tpu.memory_space<vmem>>, vector<1x256x64xf32>
    %swap3A_38 = vector.shape_cast %swap3A_37 : vector<1x256x64xf32> to vector<256x64xf32>
    %swap3A_39 = vector.shape_cast %slice3A_33 : vector<256x64xf32> to vector<1x256x64xf32>
    tpu.vector_store %arg4[%swap3A_34, %swap3A_35, %swap3A_36], %swap3A_39 {strides = array<i32>} : memref<4x256x64xf32, #tpu.memory_space<vmem>>, vector<1x256x64xf32>,
    %slice3A_40 = vector.extract_strided_slice %mul3A_19 {offsets = [0, 192], sizes = [256, 64], strides = [1, 1]} : vector<256x256xf32> to vector<256x64xf32>
    %swap3A_41 = arith.constant 3 : index
    %swap3A_42 = arith.constant 0 : index
    %swap3A_43 = arith.constant 0 : index
    %swap3A_44 = vector.load %arg4[%swap3A_41, %swap3A_42, %swap3A_43] : memref<4x256x64xf32, #tpu.memory_space<vmem>>, vector<1x256x64xf32>
    %swap3A_45 = vector.shape_cast %swap3A_44 : vector<1x256x64xf32> to vector<256x64xf32>
    %swap3A_46 = vector.shape_cast %slice3A_40 : vector<256x64xf32> to vector<1x256x64xf32>
    tpu.vector_store %arg4[%swap3A_41, %swap3A_42, %swap3A_43], %swap3A_46 {strides = array<i32>} : memref<4x256x64xf32, #tpu.memory_space<vmem>>, vector<1x256x64xf32>,
    return
  }
  func.func @transform_0(%arg0: i32) -> (i32, i32) {
    %c0_i32 = arith.constant 0 : i32
    %c0_i32_0 = arith.constant 0 : i32
    return %arg0, %c0_i32 : i32, i32
  }
  func.func @transform_1(%arg0: i32) -> (i32, i32) {
    %c0_i32 = arith.constant 0 : i32
    %c0_i32_0 = arith.constant 0 : i32
    return %arg0, %c0_i32 : i32, i32
  }
  func.func @transform_2(%arg0: i32) -> (i32, i32) {
    %c0_i32 = arith.constant 0 : i32
    %c0_i32_0 = arith.constant 0 : i32
    return %arg0, %c0_i32 : i32, i32
  }
  func.func @transform_3(%arg0: i32) -> (i32, i32, i32) {
    %c0_i32 = arith.constant 0 : i32
    %c0_i32_0 = arith.constant 0 : i32
    %c0_i32_1 = arith.constant 0 : i32
    return %c0_i32, %arg0, %c0_i32_0 : i32, i32, i32
  }
  func.func @transform_4(%arg0: i32) -> (i32, i32) {
    %c0_i32 = arith.constant 0 : i32
    %c0_i32_0 = arith.constant 0 : i32
    return %arg0, %c0_i32 : i32, i32
  }
  func.func @transform_5(%arg0: i32) -> (i32, i32) {
    %c0_i32 = arith.constant 0 : i32
    %c0_i32_0 = arith.constant 0 : i32
    return %arg0, %c0_i32 : i32, i32
  }
}

module attributes {stable_mosaic.version = 14 : i64} {
  func.func @_mid_body(%arg0: i32, %arg1: memref<4x256x64xf32, #tpu.memory_space<vmem>>, %arg2: memref<256x1xf32, #tpu.memory_space<vmem>>, %arg3: memref<256x1xf32, #tpu.memory_space<vmem>>, %arg4: memref<256x256xf32, #tpu.memory_space<vmem>>, %arg5: memref<1x256xf32, #tpu.memory_space<vmem>>, %arg6: memref<4x256x64xf32, #tpu.memory_space<vmem>>) attributes {dimension_semantics = [#tpu.dimension_semantics<arbitrary>], iteration_bounds = array<i64: 40>, scalar_prefetch = 0 : i64, scratch_operands = 0 : i64, tpu.core_type = #tpu.core_type<tc>, window_params = [{transform_indices = @transform_0, window_bounds = array<i64: 4, 256, 64>}, {transform_indices = @transform_1, window_bounds = array<i64: 256, 1>}, {transform_indices = @transform_2, window_bounds = array<i64: 256, 1>}, {pipeline_mode = #tpu.pipeline_mode<synchronous>, transform_indices = @transform_3, window_bounds = array<i64: 256, 256>}, {pipeline_mode = #tpu.pipeline_mode<synchronous>, transform_indices = @transform_4, window_bounds = array<i64: 1, 256>}, {transform_indices = @transform_5, window_bounds = array<i64: 4, 256, 64>}]} {
    %get3A = arith.constant 0 : index
    %get3A_0 = arith.constant 0 : index
    %get3A_1 = vector.load %arg2[%get3A, %get3A_0] : memref<256x1xf32, #tpu.memory_space<vmem>>, vector<256x1xf32>
    %get3A_2 = arith.constant 0 : index
    %get3A_3 = arith.constant 0 : index
    %get3A_4 = vector.load %arg5[%get3A_2, %get3A_3] : memref<1x256xf32, #tpu.memory_space<vmem>>, vector<1x256xf32>
    %get3A_5 = arith.constant 0 : index
    %get3A_6 = arith.constant 0 : index
    %get3A_7 = arith.constant 0 : index
    %get3A_8 = vector.load %arg1[%get3A_5, %get3A_6, %get3A_7] : memref<4x256x64xf32, #tpu.memory_space<vmem>>, vector<1x256x64xf32>
    %get3A_9 = vector.shape_cast %get3A_8 : vector<1x256x64xf32> to vector<256x64xf32>
    %mul3A = vector.broadcast %get3A_1 : vector<256x1xf32> to vector<256x64xf32>
    %mul3A_10 = arith.mulf %get3A_9, %mul3A : vector<256x64xf32>
    %get3A_11 = arith.constant 0 : index
    %get3A_12 = arith.constant 0 : index
    %get3A_13 = vector.load %arg4[%get3A_11, %get3A_12] : memref<256x256xf32, #tpu.memory_space<vmem>>, vector<64x256xf32>
    %dot_general3A = arith.constant dense<0.000000e+00> : vector<256x256xf32>
    %dot_general3A_14 = tpu.matmul %mul3A_10, %get3A_13, %dot_general3A {dimension_numbers = #tpu.dot_dimension_numbers<[1], [0], [0], [1], [0, 0, 1, 1], [], []>, transpose_lhs_hint = false} : vector<256x64xf32>, vector<64x256xf32>, vector<256x256xf32> -> vector<256x256xf32>
    %add3A = vector.broadcast %get3A_4 : vector<1x256xf32> to vector<256x256xf32>
    %add3A_15 = arith.addf %add3A, %dot_general3A_14 : vector<256x256xf32>
    %get3A_16 = arith.constant 1 : index
    %get3A_17 = arith.constant 0 : index
    %get3A_18 = arith.constant 0 : index
    %get3A_19 = vector.load %arg1[%get3A_16, %get3A_17, %get3A_18] : memref<4x256x64xf32, #tpu.memory_space<vmem>>, vector<1x256x64xf32>
    %get3A_20 = vector.shape_cast %get3A_19 : vector<1x256x64xf32> to vector<256x64xf32>
    %mul3A_21 = vector.broadcast %get3A_1 : vector<256x1xf32> to vector<256x64xf32>
    %mul3A_22 = arith.mulf %get3A_20, %mul3A_21 : vector<256x64xf32>
    %get3A_23 = arith.constant 64 : index
    %get3A_24 = arith.constant 0 : index
    %get3A_25 = vector.load %arg4[%get3A_23, %get3A_24] : memref<256x256xf32, #tpu.memory_space<vmem>>, vector<64x256xf32>
    %dot_general3A_26 = arith.constant dense<0.000000e+00> : vector<256x256xf32>
    %dot_general3A_27 = tpu.matmul %mul3A_22, %get3A_25, %dot_general3A_26 {dimension_numbers = #tpu.dot_dimension_numbers<[1], [0], [0], [1], [0, 0, 1, 1], [], []>, transpose_lhs_hint = false} : vector<256x64xf32>, vector<64x256xf32>, vector<256x256xf32> -> vector<256x256xf32>
    %add3A_28 = arith.addf %add3A_15, %dot_general3A_27 : vector<256x256xf32>
    %get3A_29 = arith.constant 2 : index
    %get3A_30 = arith.constant 0 : index
    %get3A_31 = arith.constant 0 : index
    %get3A_32 = vector.load %arg1[%get3A_29, %get3A_30, %get3A_31] : memref<4x256x64xf32, #tpu.memory_space<vmem>>, vector<1x256x64xf32>
    %get3A_33 = vector.shape_cast %get3A_32 : vector<1x256x64xf32> to vector<256x64xf32>
    %mul3A_34 = vector.broadcast %get3A_1 : vector<256x1xf32> to vector<256x64xf32>
    %mul3A_35 = arith.mulf %get3A_33, %mul3A_34 : vector<256x64xf32>
    %get3A_36 = arith.constant 128 : index
    %get3A_37 = arith.constant 0 : index
    %get3A_38 = vector.load %arg4[%get3A_36, %get3A_37] : memref<256x256xf32, #tpu.memory_space<vmem>>, vector<64x256xf32>
    %dot_general3A_39 = arith.constant dense<0.000000e+00> : vector<256x256xf32>
    %dot_general3A_40 = tpu.matmul %mul3A_35, %get3A_38, %dot_general3A_39 {dimension_numbers = #tpu.dot_dimension_numbers<[1], [0], [0], [1], [0, 0, 1, 1], [], []>, transpose_lhs_hint = false} : vector<256x64xf32>, vector<64x256xf32>, vector<256x256xf32> -> vector<256x256xf32>
    %add3A_41 = arith.addf %add3A_28, %dot_general3A_40 : vector<256x256xf32>
    %get3A_42 = arith.constant 3 : index
    %get3A_43 = arith.constant 0 : index
    %get3A_44 = arith.constant 0 : index
    %get3A_45 = vector.load %arg1[%get3A_42, %get3A_43, %get3A_44] : memref<4x256x64xf32, #tpu.memory_space<vmem>>, vector<1x256x64xf32>
    %get3A_46 = vector.shape_cast %get3A_45 : vector<1x256x64xf32> to vector<256x64xf32>
    %mul3A_47 = vector.broadcast %get3A_1 : vector<256x1xf32> to vector<256x64xf32>
    %mul3A_48 = arith.mulf %get3A_46, %mul3A_47 : vector<256x64xf32>
    %get3A_49 = arith.constant 192 : index
    %get3A_50 = arith.constant 0 : index
    %get3A_51 = vector.load %arg4[%get3A_49, %get3A_50] : memref<256x256xf32, #tpu.memory_space<vmem>>, vector<64x256xf32>
    %dot_general3A_52 = arith.constant dense<0.000000e+00> : vector<256x256xf32>
    %dot_general3A_53 = tpu.matmul %mul3A_48, %get3A_51, %dot_general3A_52 {dimension_numbers = #tpu.dot_dimension_numbers<[1], [0], [0], [1], [0, 0, 1, 1], [], []>, transpose_lhs_hint = false} : vector<256x64xf32>, vector<64x256xf32>, vector<256x256xf32> -> vector<256x256xf32>
    %add3A_54 = arith.addf %add3A_41, %dot_general3A_53 : vector<256x256xf32>
    %max3A = arith.constant 0.000000e+00 : f32
    %max3A_55 = vector.broadcast %max3A : f32 to vector<256x256xf32>
    %max3A_56 = arith.maximumf %add3A_54, %max3A_55 : vector<256x256xf32>
    %get3A_57 = arith.constant 0 : index
    %get3A_58 = arith.constant 0 : index
    %get3A_59 = vector.load %arg3[%get3A_57, %get3A_58] : memref<256x1xf32, #tpu.memory_space<vmem>>, vector<256x1xf32>
    %mul3A_60 = vector.broadcast %get3A_59 : vector<256x1xf32> to vector<256x256xf32>
    %mul3A_61 = arith.mulf %max3A_56, %mul3A_60 : vector<256x256xf32>
    %slice3A = vector.extract_strided_slice %mul3A_61 {offsets = [0, 0], sizes = [256, 64], strides = [1, 1]} : vector<256x256xf32> to vector<256x64xf32>
    %swap3A = arith.constant 0 : index
    %swap3A_62 = arith.constant 0 : index
    %swap3A_63 = arith.constant 0 : index
    %swap3A_64 = vector.load %arg6[%swap3A, %swap3A_62, %swap3A_63] : memref<4x256x64xf32, #tpu.memory_space<vmem>>, vector<1x256x64xf32>
    %swap3A_65 = vector.shape_cast %swap3A_64 : vector<1x256x64xf32> to vector<256x64xf32>
    %swap3A_66 = vector.shape_cast %slice3A : vector<256x64xf32> to vector<1x256x64xf32>
    tpu.vector_store %arg6[%swap3A, %swap3A_62, %swap3A_63], %swap3A_66 {strides = array<i32>} : memref<4x256x64xf32, #tpu.memory_space<vmem>>, vector<1x256x64xf32>,
    %slice3A_67 = vector.extract_strided_slice %mul3A_61 {offsets = [0, 64], sizes = [256, 64], strides = [1, 1]} : vector<256x256xf32> to vector<256x64xf32>
    %swap3A_68 = arith.constant 1 : index
    %swap3A_69 = arith.constant 0 : index
    %swap3A_70 = arith.constant 0 : index
    %swap3A_71 = vector.load %arg6[%swap3A_68, %swap3A_69, %swap3A_70] : memref<4x256x64xf32, #tpu.memory_space<vmem>>, vector<1x256x64xf32>
    %swap3A_72 = vector.shape_cast %swap3A_71 : vector<1x256x64xf32> to vector<256x64xf32>
    %swap3A_73 = vector.shape_cast %slice3A_67 : vector<256x64xf32> to vector<1x256x64xf32>
    tpu.vector_store %arg6[%swap3A_68, %swap3A_69, %swap3A_70], %swap3A_73 {strides = array<i32>} : memref<4x256x64xf32, #tpu.memory_space<vmem>>, vector<1x256x64xf32>,
    %slice3A_74 = vector.extract_strided_slice %mul3A_61 {offsets = [0, 128], sizes = [256, 64], strides = [1, 1]} : vector<256x256xf32> to vector<256x64xf32>
    %swap3A_75 = arith.constant 2 : index
    %swap3A_76 = arith.constant 0 : index
    %swap3A_77 = arith.constant 0 : index
    %swap3A_78 = vector.load %arg6[%swap3A_75, %swap3A_76, %swap3A_77] : memref<4x256x64xf32, #tpu.memory_space<vmem>>, vector<1x256x64xf32>
    %swap3A_79 = vector.shape_cast %swap3A_78 : vector<1x256x64xf32> to vector<256x64xf32>
    %swap3A_80 = vector.shape_cast %slice3A_74 : vector<256x64xf32> to vector<1x256x64xf32>
    tpu.vector_store %arg6[%swap3A_75, %swap3A_76, %swap3A_77], %swap3A_80 {strides = array<i32>} : memref<4x256x64xf32, #tpu.memory_space<vmem>>, vector<1x256x64xf32>,
    %slice3A_81 = vector.extract_strided_slice %mul3A_61 {offsets = [0, 192], sizes = [256, 64], strides = [1, 1]} : vector<256x256xf32> to vector<256x64xf32>
    %swap3A_82 = arith.constant 3 : index
    %swap3A_83 = arith.constant 0 : index
    %swap3A_84 = arith.constant 0 : index
    %swap3A_85 = vector.load %arg6[%swap3A_82, %swap3A_83, %swap3A_84] : memref<4x256x64xf32, #tpu.memory_space<vmem>>, vector<1x256x64xf32>
    %swap3A_86 = vector.shape_cast %swap3A_85 : vector<1x256x64xf32> to vector<256x64xf32>
    %swap3A_87 = vector.shape_cast %slice3A_81 : vector<256x64xf32> to vector<1x256x64xf32>
    tpu.vector_store %arg6[%swap3A_82, %swap3A_83, %swap3A_84], %swap3A_87 {strides = array<i32>} : memref<4x256x64xf32, #tpu.memory_space<vmem>>, vector<1x256x64xf32>,
    return
  }
  func.func @transform_0(%arg0: i32) -> (i32, i32, i32) {
    %c0_i32 = arith.constant 0 : i32
    %c0_i32_0 = arith.constant 0 : i32
    %c0_i32_1 = arith.constant 0 : i32
    return %c0_i32, %arg0, %c0_i32_0 : i32, i32, i32
  }
  func.func @transform_1(%arg0: i32) -> (i32, i32) {
    %c0_i32 = arith.constant 0 : i32
    %c0_i32_0 = arith.constant 0 : i32
    return %arg0, %c0_i32 : i32, i32
  }
  func.func @transform_2(%arg0: i32) -> (i32, i32) {
    %c0_i32 = arith.constant 0 : i32
    %c0_i32_0 = arith.constant 0 : i32
    return %arg0, %c0_i32 : i32, i32
  }
  func.func @transform_3(%arg0: i32) -> (i32, i32) {
    %c0_i32 = arith.constant 0 : i32
    %c0_i32_0 = arith.constant 0 : i32
    %c0_i32_1 = arith.constant 0 : i32
    return %c0_i32, %c0_i32_0 : i32, i32
  }
  func.func @transform_4(%arg0: i32) -> (i32, i32) {
    %c0_i32 = arith.constant 0 : i32
    %c0_i32_0 = arith.constant 0 : i32
    %c0_i32_1 = arith.constant 0 : i32
    return %c0_i32, %c0_i32_0 : i32, i32
  }
  func.func @transform_5(%arg0: i32) -> (i32, i32, i32) {
    %c0_i32 = arith.constant 0 : i32
    %c0_i32_0 = arith.constant 0 : i32
    %c0_i32_1 = arith.constant 0 : i32
    return %c0_i32, %arg0, %c0_i32_0 : i32, i32, i32
  }
}

module attributes {stable_mosaic.version = 14 : i64} {
  func.func @_final_body(%arg0: i32, %arg1: memref<4x256x64xf32, #tpu.memory_space<vmem>>, %arg2: memref<256x1xf32, #tpu.memory_space<vmem>>, %arg3: memref<256x256xf32, #tpu.memory_space<vmem>>, %arg4: memref<1x256xf32, #tpu.memory_space<vmem>>, %arg5: memref<256x256xf32, #tpu.memory_space<vmem>>) attributes {dimension_semantics = [#tpu.dimension_semantics<arbitrary>], iteration_bounds = array<i64: 40>, scalar_prefetch = 0 : i64, scratch_operands = 0 : i64, tpu.core_type = #tpu.core_type<tc>, window_params = [{transform_indices = @transform_0, window_bounds = array<i64: 4, 256, 64>}, {transform_indices = @transform_1, window_bounds = array<i64: 256, 1>}, {pipeline_mode = #tpu.pipeline_mode<synchronous>, transform_indices = @transform_2, window_bounds = array<i64: 256, 256>}, {pipeline_mode = #tpu.pipeline_mode<synchronous>, transform_indices = @transform_3, window_bounds = array<i64: 1, 256>}, {transform_indices = @transform_4, window_bounds = array<i64: 256, 256>}]} {
    %get3A = arith.constant 0 : index
    %get3A_0 = arith.constant 0 : index
    %get3A_1 = vector.load %arg2[%get3A, %get3A_0] : memref<256x1xf32, #tpu.memory_space<vmem>>, vector<256x1xf32>
    %get3A_2 = arith.constant 0 : index
    %get3A_3 = arith.constant 0 : index
    %get3A_4 = vector.load %arg4[%get3A_2, %get3A_3] : memref<1x256xf32, #tpu.memory_space<vmem>>, vector<1x256xf32>
    %get3A_5 = arith.constant 0 : index
    %get3A_6 = arith.constant 0 : index
    %get3A_7 = arith.constant 0 : index
    %get3A_8 = vector.load %arg1[%get3A_5, %get3A_6, %get3A_7] : memref<4x256x64xf32, #tpu.memory_space<vmem>>, vector<1x256x64xf32>
    %get3A_9 = vector.shape_cast %get3A_8 : vector<1x256x64xf32> to vector<256x64xf32>
    %mul3A = vector.broadcast %get3A_1 : vector<256x1xf32> to vector<256x64xf32>
    %mul3A_10 = arith.mulf %get3A_9, %mul3A : vector<256x64xf32>
    %get3A_11 = arith.constant 0 : index
    %get3A_12 = arith.constant 0 : index
    %get3A_13 = vector.load %arg3[%get3A_11, %get3A_12] : memref<256x256xf32, #tpu.memory_space<vmem>>, vector<64x256xf32>
    %dot_general3A = arith.constant dense<0.000000e+00> : vector<256x256xf32>
    %dot_general3A_14 = tpu.matmul %mul3A_10, %get3A_13, %dot_general3A {dimension_numbers = #tpu.dot_dimension_numbers<[1], [0], [0], [1], [0, 0, 1, 1], [], []>, transpose_lhs_hint = false} : vector<256x64xf32>, vector<64x256xf32>, vector<256x256xf32> -> vector<256x256xf32>
    %add3A = vector.broadcast %get3A_4 : vector<1x256xf32> to vector<256x256xf32>
    %add3A_15 = arith.addf %add3A, %dot_general3A_14 : vector<256x256xf32>
    %get3A_16 = arith.constant 1 : index
    %get3A_17 = arith.constant 0 : index
    %get3A_18 = arith.constant 0 : index
    %get3A_19 = vector.load %arg1[%get3A_16, %get3A_17, %get3A_18] : memref<4x256x64xf32, #tpu.memory_space<vmem>>, vector<1x256x64xf32>
    %get3A_20 = vector.shape_cast %get3A_19 : vector<1x256x64xf32> to vector<256x64xf32>
    %mul3A_21 = vector.broadcast %get3A_1 : vector<256x1xf32> to vector<256x64xf32>
    %mul3A_22 = arith.mulf %get3A_20, %mul3A_21 : vector<256x64xf32>
    %get3A_23 = arith.constant 64 : index
    %get3A_24 = arith.constant 0 : index
    %get3A_25 = vector.load %arg3[%get3A_23, %get3A_24] : memref<256x256xf32, #tpu.memory_space<vmem>>, vector<64x256xf32>
    %dot_general3A_26 = arith.constant dense<0.000000e+00> : vector<256x256xf32>
    %dot_general3A_27 = tpu.matmul %mul3A_22, %get3A_25, %dot_general3A_26 {dimension_numbers = #tpu.dot_dimension_numbers<[1], [0], [0], [1], [0, 0, 1, 1], [], []>, transpose_lhs_hint = false} : vector<256x64xf32>, vector<64x256xf32>, vector<256x256xf32> -> vector<256x256xf32>
    %add3A_28 = arith.addf %add3A_15, %dot_general3A_27 : vector<256x256xf32>
    %get3A_29 = arith.constant 2 : index
    %get3A_30 = arith.constant 0 : index
    %get3A_31 = arith.constant 0 : index
    %get3A_32 = vector.load %arg1[%get3A_29, %get3A_30, %get3A_31] : memref<4x256x64xf32, #tpu.memory_space<vmem>>, vector<1x256x64xf32>
    %get3A_33 = vector.shape_cast %get3A_32 : vector<1x256x64xf32> to vector<256x64xf32>
    %mul3A_34 = vector.broadcast %get3A_1 : vector<256x1xf32> to vector<256x64xf32>
    %mul3A_35 = arith.mulf %get3A_33, %mul3A_34 : vector<256x64xf32>
    %get3A_36 = arith.constant 128 : index
    %get3A_37 = arith.constant 0 : index
    %get3A_38 = vector.load %arg3[%get3A_36, %get3A_37] : memref<256x256xf32, #tpu.memory_space<vmem>>, vector<64x256xf32>
    %dot_general3A_39 = arith.constant dense<0.000000e+00> : vector<256x256xf32>
    %dot_general3A_40 = tpu.matmul %mul3A_35, %get3A_38, %dot_general3A_39 {dimension_numbers = #tpu.dot_dimension_numbers<[1], [0], [0], [1], [0, 0, 1, 1], [], []>, transpose_lhs_hint = false} : vector<256x64xf32>, vector<64x256xf32>, vector<256x256xf32> -> vector<256x256xf32>
    %add3A_41 = arith.addf %add3A_28, %dot_general3A_40 : vector<256x256xf32>
    %get3A_42 = arith.constant 3 : index
    %get3A_43 = arith.constant 0 : index
    %get3A_44 = arith.constant 0 : index
    %get3A_45 = vector.load %arg1[%get3A_42, %get3A_43, %get3A_44] : memref<4x256x64xf32, #tpu.memory_space<vmem>>, vector<1x256x64xf32>
    %get3A_46 = vector.shape_cast %get3A_45 : vector<1x256x64xf32> to vector<256x64xf32>
    %mul3A_47 = vector.broadcast %get3A_1 : vector<256x1xf32> to vector<256x64xf32>
    %mul3A_48 = arith.mulf %get3A_46, %mul3A_47 : vector<256x64xf32>
    %get3A_49 = arith.constant 192 : index
    %get3A_50 = arith.constant 0 : index
    %get3A_51 = vector.load %arg3[%get3A_49, %get3A_50] : memref<256x256xf32, #tpu.memory_space<vmem>>, vector<64x256xf32>
    %dot_general3A_52 = arith.constant dense<0.000000e+00> : vector<256x256xf32>
    %dot_general3A_53 = tpu.matmul %mul3A_48, %get3A_51, %dot_general3A_52 {dimension_numbers = #tpu.dot_dimension_numbers<[1], [0], [0], [1], [0, 0, 1, 1], [], []>, transpose_lhs_hint = false} : vector<256x64xf32>, vector<64x256xf32>, vector<256x256xf32> -> vector<256x256xf32>
    %add3A_54 = arith.addf %add3A_41, %dot_general3A_53 : vector<256x256xf32>
    %swap3A = arith.constant 0 : index
    %swap3A_55 = arith.constant 0 : index
    %swap3A_56 = vector.load %arg5[%swap3A, %swap3A_55] : memref<256x256xf32, #tpu.memory_space<vmem>>, vector<256x256xf32>
    tpu.vector_store %arg5[%swap3A, %swap3A_55], %add3A_54 {strides = array<i32>} : memref<256x256xf32, #tpu.memory_space<vmem>>, vector<256x256xf32>,
    return
  }
  func.func @transform_0(%arg0: i32) -> (i32, i32, i32) {
    %c0_i32 = arith.constant 0 : i32
    %c0_i32_0 = arith.constant 0 : i32
    %c0_i32_1 = arith.constant 0 : i32
    return %c0_i32, %arg0, %c0_i32_0 : i32, i32, i32
  }
  func.func @transform_1(%arg0: i32) -> (i32, i32) {
    %c0_i32 = arith.constant 0 : i32
    %c0_i32_0 = arith.constant 0 : i32
    return %arg0, %c0_i32 : i32, i32
  }
  func.func @transform_2(%arg0: i32) -> (i32, i32) {
    %c0_i32 = arith.constant 0 : i32
    %c0_i32_0 = arith.constant 0 : i32
    %c0_i32_1 = arith.constant 0 : i32
    return %c0_i32, %c0_i32_0 : i32, i32
  }
  func.func @transform_3(%arg0: i32) -> (i32, i32) {
    %c0_i32 = arith.constant 0 : i32
    %c0_i32_0 = arith.constant 0 : i32
    %c0_i32_1 = arith.constant 0 : i32
    return %c0_i32, %c0_i32_0 : i32, i32
  }
  func.func @transform_4(%arg0: i32) -> (i32, i32) {
    %c0_i32 = arith.constant 0 : i32
    %c0_i32_0 = arith.constant 0 : i32
    return %arg0, %c0_i32 : i32, i32
  }
}

</mosaic_0001>

<sc_bundles>
// kernel: agg.4.cloned.1.call-start
scs
__scs_entry_jumppad:
0x0: {  	(pc) =	sbr.rel $0x88, $3  }
0x1: {  	(tag) =	ssettag $0x0;
	lr =	simm.s32 $0x1  }
0x2: {  	[smem:$0x3F9B] =	sst lr;
	_ =	strace $0xD0000000  }
0x3: {  	_ = 	snop  }
0x4: {  	_ = 	snop  }
0x5: {  	_ = 	snop  }
0x6: {  	_ = 	snop  }
0x7: {  	_ = 	snop  }
__scs_overlays_trampoline_lowered:
0x8: {  	[smem:$0x3FAA] =	sst s0  }
0x9: {  	[smem:$0x3FAB] =	sst s1  }
0xa: {  	[smem:$0x3FAC] =	sst s2  }
0xb: {  	[smem:$0x3FAD] =	sst s3  }
0xc: {  	[smem:$0x3FAE] =	sst s4  }
0xd: {  	[smem:$0x3FAF] =	sst s5  }
0xe: {  	[smem:$0x3FB0] =	sst s6  }
0xf: {  	[smem:$0x3FB1] =	sst s7  }
0x10: {  	[smem:$0x3FB2] =	sst s8  }
0x11: {  	[smem:$0x3FB3] =	sst s9;
	s0 =	simm.s32 @!p0 $0x0  }
0x12: {  	s1 =	sld [smem:$0x3F99];
	s0 =	simm.s32 @p0 $0x1  }
0x13: {  	[smem:$0x3FB4] =	sst s0;
	s0 =	simm.s32 @!p1 $0x0  }
0x14: {  	s2 =	sld [smem:$0x3F98];
	s0 =	simm.s32 @p1 $0x1  }
0x15: {  	[smem:$0x3FB5] =	sst s0;
	s0 =	simm.s32 @!p2 $0x0  }
0x16: {  	s3 =	sld [smem:$0x3FDB];
	s0 =	simm.s32 @p2 $0x1  }
0x17: {  	s4 =	simm.s32 $0x1BF5;
	[smem:$0x3FB7] =	sst s0  }
0x18: {  	s0 =	sld [smem:$0x3F9A];
	_ =	swait.ge [sflag:s4], $0x0  }
0x19: {  	s7 =	sld [smem:$0x3F9B]  }
0x1a: {  	s8 =	sadd.s32 $0xFFFFE003, lr  }
0x1b: {  	s9 =	sadd.s32 $0xFFFFFEF7, lr;
	s5 =	simm.s32 $0xFFFFFFFF;
	p2 =	slt.u32 s8, $0xFFFFF086  }
0x1c: {  	p1 =	slt.u32 s9, $0xF7A;
	s5 =	simm.s32 @!p2 $0x0  }
0x1d: {  	s5 =	simm.s32 @p1 $0x1;
	p0 =	seq.s32 s7, s2  }
0x1e: {  	s7 =	smul.u32 @!p0 $0xF7A, s2;
	p2 =	seq.s32 @!p0 s5, $0x0  }
0x1f: {  	s9 =	smul.u32 $0xF7A, s1;
	s8 =	simm.s32 @!p0 $0x1BF5;
	p2 =	por !p2, p0  }
0x20: {  	[sflag:s8] =	ssyncset.s32 @!p0 $0xFFFFF086;
	s6 =	sadd.s32 @!p0 s3, s7;
	s7 =	simm.s32 @!p0 $0x108  }
0x21: {  	s3 =	sadd.s32 s3, s9;
	s6 =	sadd.s32 @!p0 $0x88, s6;
	s7 =	simm.s32 @p2 $0x1082  }
0x22: {  	[simem:s7], [sflag:s8] =	dma.local @!p0 [hbm:s6], $0xF7A  }
0x23: {  	s9 =	sor.u32 $0xD0000000, s2;
	s6 =	simm.s32 $0x108;
	_ =	swait.ge @!p0 [sflag:s8], $0x0  }
0x24: {  	s3 =	sadd.s32 $0x88, s3;
	s6 =	simm.s32 @!p1 $0x1082;
	[sflag:s4] =	ssyncset.s32 $0xFFFFF086  }
0x25: {  	[simem:s6], [sflag:s4] =	dma.local [hbm:s3], $0xF7A  }
0x26: {  	[smem:$0x3F9B] =	sst s1;
	(tag) =	ssettag s2;
	_ =	strace s9  }
0x27: {  	s1 =	sld [smem:$0x3FAB]  }
0x28: {  	s2 =	sld [smem:$0x3FAC]  }
0x29: {  	s4 =	sld [smem:$0x3FAE]  }
0x2a: {  	p0 =	seq.s32 s5, $0x0;
	s5 =	sld [smem:$0x3FAF]  }
0x2b: {  	s6 =	sld [smem:$0x3FB0]  }
0x2c: {  	s7 =	sld [smem:$0x3FB1]  }
0x2d: {  	s3 =	simm.s32 $0x108;
	s8 =	sld [smem:$0x3FB2]  }
0x2e: {  	s3 =	simm.s32 @!p0 $0x1082;
	s9 =	sld [smem:$0x3FB3]  }
0x2f: {  	lr =	sadd.s32 s0, s3;
	s0 =	sld [smem:$0x3FAA]  }
0x30: {  	s3 =	sld [smem:$0x3FAD]  }
0x31: {  	[smem:$0x3FB6] =	sst s10  }
0x32: {  	s10 =	sld [smem:$0x3FB4];
	_ =	sdelay $0x3  }
0x33: {  	p0 =	seq.s32 s10, $0x1;
	s10 =	sld [smem:$0x3FB6];
	_ =	sdelay $0x3  }
0x34: {  	[smem:$0x3FB6] =	sst s10  }
0x35: {  	s10 =	sld [smem:$0x3FB5];
	_ =	sdelay $0x3  }
0x36: {  	p1 =	seq.s32 s10, $0x1;
	s10 =	sld [smem:$0x3FB6];
	_ =	sdelay $0x3  }
0x37: {  	[smem:$0x3FB6] =	sst s10  }
0x38: {  	s10 =	sld [smem:$0x3FB7]  }
0x39: {  	_ = 	snop;
	(pc) =	sbr.ind lr, $3  }
0x3a: {  	_ = 	snop  }
0x3b: {  	_ = 	snop  }
0x3c: {  	p2 =	seq.s32 s10, $0x1;
	s10 =	sld [smem:$0x3FB6]  }
0x3d: {  	_ =	shalt  }
0x3e: {  	_ =	shalt  }
0x3f: {  	_ =	shalt  }
0x40: {  	_ =	shalt  }
0x41: {  	_ =	shalt  }
0x42: {  	_ =	shalt  }
0x43: {  	_ =	shalt  }
0x44: {  	_ =	shalt  }
0x45: {  	_ =	shalt  }
0x46: {  	_ =	shalt  }
0x47: {  	_ =	shalt  }
0x48: {  	_ =	shalt  }
0x49: {  	_ =	shalt  }
0x4a: {  	_ =	shalt  }
0x4b: {  	_ =	shalt  }
0x4c: {  	_ =	shalt  }
0x4d: {  	_ =	shalt  }
0x4e: {  	_ =	shalt  }
0x4f: {  	_ =	shalt  }
0x50: {  	_ =	shalt  }
0x51: {  	_ =	shalt  }
0x52: {  	_ =	shalt  }
0x53: {  	_ =	shalt  }
0x54: {  	_ =	shalt  }
0x55: {  	_ =	shalt  }
0x56: {  	_ =	shalt  }
0x57: {  	_ =	shalt  }
0x58: {  	_ =	shalt  }
0x59: {  	_ =	shalt  }
0x5a: {  	_ =	shalt  }
0x5b: {  	_ =	shalt  }
0x5c: {  	_ =	shalt  }
0x5d: {  	_ =	shalt  }
0x5e: {  	_ =	shalt  }
0x5f: {  	_ =	shalt  }
0x60: {  	_ =	shalt  }
0x61: {  	_ =	shalt  }
0x62: {  	_ =	shalt  }
0x63: {  	_ =	shalt  }
0x64: {  	_ =	shalt  }
0x65: {  	_ =	shalt  }
0x66: {  	_ =	shalt  }
0x67: {  	_ =	shalt  }
0x68: {  	_ =	shalt  }
0x69: {  	_ =	shalt  }
0x6a: {  	_ =	shalt  }
0x6b: {  	_ =	shalt  }
0x6c: {  	_ =	shalt  }
0x6d: {  	_ =	shalt  }
0x6e: {  	_ =	shalt  }
0x6f: {  	_ =	shalt  }
0x70: {  	_ =	shalt  }
0x71: {  	_ =	shalt  }
0x72: {  	_ =	shalt  }
0x73: {  	_ =	shalt  }
0x74: {  	_ =	shalt  }
0x75: {  	_ =	shalt  }
0x76: {  	_ =	shalt  }
0x77: {  	_ =	shalt  }
0x78: {  	_ =	shalt  }
0x79: {  	_ =	shalt  }
0x7a: {  	_ =	shalt  }
0x7b: {  	_ =	shalt  }
0x7c: {  	_ =	shalt  }
0x7d: {  	_ =	shalt  }
0x7e: {  	_ =	shalt  }
0x7f: {  	_ =	shalt  }
0x80: {  	_ =	shalt  }
0x81: {  	_ =	shalt  }
0x82: {  	_ =	shalt  }
0x83: {  	_ =	shalt  }
0x84: {  	_ =	shalt  }
0x85: {  	_ =	shalt  }
0x86: {  	_ =	shalt  }
0x87: {  	_ =	shalt  }
.Lfunc_end0:
.L_simem_size_0:
called_computation.1_lowered:
.L_overlay_start_0:
0x88: {  	s2 =	sld [smem:$0x3FD9]  }
0x89: {  	s3 =	sld [smem:$0x3FFE];
	_ =	sdelay $0x1  }
0x8a: {  	s1 =	srdreg.scid  }
0x8b: {  	s0 =	sand.u32 $0x1, s1  }
0x8c: {  	s17 =	sshll.u32 s0, $0xA;
	s2 =	sadd.s32 s3, s2  }
0x8d: {  	s2 =	sadd.s32 s2, s17  }
0x8e: {  	[smem:$0x3FC2] =	sst s2  }
0x8f: {  	_ = 	snop  }
0x90: {  	s2 =	sld [smem:$0x3FD0];
	(tm) =	ssettm $0x1  }
0x91: {  	s18 =	sld [smem:$0x3FFB];
	_ =	sdelay $0x3  }
0x92: {  	_ =	strace s18  }
0x93: {  	s3 =	sld [smem:$0x3FFC];
	_ =	sdelay $0x3  }
0x94: {  	_ =	strace s3  }
0x95: {  	s3 =	sld [smem:$0x3FFD];
	_ =	sdelay $0x3  }
0x96: {  	_ =	strace s3  }
0x97: {  	_ =	strace $0x8FFFFFFF  }
0x98: {  	s19 =	sld [smem:$0x3FDB];
	_ =	sdelay $0x1  }
0x99: {  	s4 =	simm.s32 $_scs_section_size  }
0x9a: {  	s5 =	simm.s32 $_size__tile_overlayer_lowered;
	s6 =	simm.s32 $_tile_overlayer_lowered  }
0x9b: {  	s22 =	simm.s32 $0x1BFF;
	s21 =	sshll.u32 s6, $0x1;
	s3 =	sadd.s32 s4, s19  }
0x9c: {  	s7 =	simm.s32 $0x0;
	s20 =	sshll.u32 s5, $0x1;
	s5 =	sadd.s32 s21, s3  }
0x9d: {  	[timem:s7], [sflag:s22] =	dma.local [hbm:s5], s20  }
0x9e: {  	_ =	swait.ge [sflag:s22], s20  }
0x9f: {  	s4 =	ssub.s32 $0x0, s20;
	[sflag:s22] =	ssyncset.done $0x0  }
0xa0: {  	[sflag:s22] =	ssyncadd.s32 s4;
	_ =	sdelay $0x1  }
0xa1: {  	s23 =	simm.s32 $0x1B8B  }
0xa2: {  	_ =	swait.ge [sflag:s23], $0x1  }
0xa3: {  	[sflag:s23] =	ssyncset.done $0x0  }
0xa4: {  	s25 =	simm.s32 $0x1B8E;
	s24 =	sld [smem:$0x3FFE];
	[sflag:s23] =	ssyncadd.s32 $0xFFFFFFFF  }
0xa5: {  	s26 =	simm.s32 $execute0_lowered;
	[smem:$0x3FD2] =	sst s25  }
0xa6: {  	s5 =	sshll.u32 s26, $0x1;
	_ =	strace $0x80000049;
	[dreg:$0x1] =	wrdreg $0xFFFFFFFF  }
0xa7: {  	s28 =	simm.s32 $_size_execute0_lowered;
	s3 =	sadd.s32 s3, s5;
	[dreg:$0x0] =	wrdreg $0x0  }
0xa8: {  	s5 =	sshll.u32 s28, $0x1;
	[dreg:$0x2] =	wrdreg s3  }
0xa9: {  	[dreg:$0x3] =	wrdreg s5  }
0xaa: {  	[dreg:$0x4] =	wrdreg $0xC0  }
0xab: {  	_ =	task [dreg:s7], $0x5FFFF  }
0xac: {  	[dreg:$0x1] =	wrdreg $0xFFFFFFFF  }
0xad: {  	[dreg:$0x0] =	wrdreg $0x60  }
0xae: {  	[dreg:$0x2] =	wrdreg s24  }
0xaf: {  	[dreg:$0x3] =	wrdreg s2  }
0xb0: {  	[dreg:$0x4] =	wrdreg $0x12C800  }
0xb1: {  	[dreg:$0x5] =	wrdreg $0x9  }
0xb2: {  	_ =	task.clear_ibuf [dreg:s7], $0x6FFFF;
	_ =	strace $0x90000049  }
0xb3: {  	s29 =	simm.s32 $0x9;
	_ =	strace $0x8000004B  }
0xb4: {  	_ =	swait.ge [sflag:s29], $0x1  }
0xb5: {  	[sflag:s29] =	ssyncadd.s32 $0xFFFFFFFF  }
0xb6: {  	_ =	strace $0x9000004B  }
0xb7: {  	_ =	sfence  }
0xb8: {  	s30 =	sld [smem:$0x0];
	_ =	sdelay $0x2  }
0xb9: {  	s31 =	sshll.u32 s1, $0xD;
	s1 =	sshrl.u32 s1, $0x2  }
0xba: {  	s3 =	sand.u32 $0x4000, s31;
	s1 =	sadd.s32 s1, s30  }
0xbb: {  	s0 =	sor.u32 s3, s0;
	s1 =	sshll.u32 s1, $0x11  }
0xbc: {  	s0 =	sor.u32 s1, s0  }
0xbd: {  	s0 =	sadd.s32 $0x8F2B, s0  }
0xbe: {  	[sflag:s0] =	ssyncadd.remote.s32 $0x1  }
0xbf: {  	_ =	sfence.sel $0xFFFF  }
0xc0: {  	[dreg:$0x0] =	wrdreg $0xFFFFFFFF;
	(pc) =	sbr.abs _section_cstart, $3  }
0xc1: {  	[dreg:$0x1] =	wrdreg $0xFFFFFFFF  }
0xc2: {  	_ =	task.clear_ibuf [dreg:s7], $0x2FFFF;
	_ =	strace $0x9FFFFFFF  }
0xc3: {  	(tm) =	ssettm $0x7FFFFFFF  }
tec
execute0_lowered:
.L_overlay_start_1:
0x0: {  	(tag) =	ssettag $0x1  }
0x1: {  	s5 =	rddreg [dreg:$0x0]  }
0x2: {  	s9 =	rddreg [dreg:$0x1]  }
0x3: {  	s2 =	rddreg [dreg:$0x2]  }
0x4: {  	s0 =	rddreg [dreg:$0x3]  }
0x5: {  	s3 =	simm.s32 $0x0;
	s1 =	stileid.u32;
	s6 =	srdreg.scid  }
0x6: {  	s16 =	simm.s32 $0xEC80;
	s17 =	simm.s32 $0x10C80;
	s18 =	simm.s32 $0x1  }
0x7: {  	s19 =	simm.s32 $0x2;
	s20 =	simm.s32 $0x4F00;
	s21 =	simm.s32 $0x4F80  }
0x8: {  	[smem:$0x7FF] =	sst s3;
	s8 =	smul.u32 $0x2800, s1;
	s4 =	sadd.s32 $0xA9A00, s5  }
0x9: {  	s6 =	sand.u32 $0x1, s6;
	s11 =	smul.u32 $0x9C80, s1;
	s12 =	sadd.s32 $0xBA00, s5  }
0xa: {  	_ =	strace $0x8000004A;
	s10 =	ssub.s32 $0x2, s6;
	s13 =	smul.u32 $0x50000, s6  }
0xb: {  	s28 =	smul.u32 $0x13C000, s6;
	s15 =	sshllo.u32 s6, $0x1;
	s7 =	sshrl.u32 s8, $0x3  }
0xc: {  	s26 =	sshrl.u32 s10, $0x1;
	s30 =	smul.u32 $0x28000, s15;
	s6 =	sadd.s32 s11, s2  }
0xd: {  	s15 =	smul.u32 $0x9E000, s15;
	s7 =	sadd.s32 s7, s5;
	s14 =	ssub.s32 s10, s26  }
0xe: {  	s29 =	sadd.s32 s8, s13;
	s10 =	sadd.s32 s11, s28;
	s5 =	sadd.s32 $0x6A00, s7  }
0xf: {  	s7 =	sshrl.u32 s29, $0x3;
	s8 =	sadd.s32 s8, s30;
	s10 =	sshrl.u32 s10, $0x3  }
0x10: {  	s11 =	sadd.s32 s11, s15;
	s15 =	simm.s32 $0x80;
	s7 =	sadd.s32 s9, s7  }
0x11: {  	s13 =	sshrl.u32 s8, $0x3;
	s8 =	sadd.s32 s12, s10;
	s31 =	sshrl.u32 s11, $0x3  }
0x12: {  	s11 =	smax.u32 s14, $0x1;
	s14 =	simm.s32 $0x5000;
	s9 =	sadd.s32 s9, s13  }
0x13: {  	v0 =	vimm.f32 $0.0e+00;
	s10 =	sadd.s32 s12, s31;
	s12 =	simm.s32 $0x2800;
	s13 =	simm.s32 $0x3  }
.LBB2_1:
0x14: {  	s23 =	simm.s32 $0x100;
	s22 =	simm.s32 $0x0  }
.LBB2_2:
0x15: {  	p0 =	sne.s32 s23, $0x27100;
	[tilespmem:s22+$0x5030] =	vst v0;
	s24 =	smov.u32 s23;
	s23 =	sadd.s32 $0x100, s23  }
.Ltmp0:
0x16: {  	[tilespmem:s22+$0x5020] =	vst v0;
	(pc) =	sbr.rel @p0 .LBB2_2-.Ltmp0, $3  }
0x17: {  	[tilespmem:s22+$0x5000] =	vst v0  }
0x18: {  	[tilespmem:s22+$0x5010] =	vst v0;
	_ =	sdelay $0x1  }
0x19: {  	s22 =	sshra.s32 s24, $0x2  }
0x1a: {  	[tilespmem:s22+$0x5030] =	vst v0  }
0x1b: {  	[tilespmem:s22+$0x5020] =	vst v0  }
0x1c: {  	[tilespmem:s22+$0x5000] =	vst v0  }
0x1d: {  	[tilespmem:s22+$0x5010] =	vst v0;
	s28 =	simm.s32 $0x0  }
0x1e: {  	[tilespmem:s12], [sflag:$0x3] =	stream.linear.gather [hbm4b:s5+s28], $0x2800, $0x38;
	[tilespmem:$0x1C900] =	vst v63  }
0x1f: {  	_ =	swait.ge [sflag:s13], $0x2800  }
0x20: {  	[sflag:s13] =	ssyncset.done $0x0  }
0x21: {  	[sflag:s13] =	ssyncadd.s32 $0xFFFFD800  }
0x22: {  	[spmem:s6] =	stream.linear.scatter [tilespmem:s14], [sflag:$0x3], $0x9C80, $0x38;
	[tilespmem:$0x1C900] =	vst v63  }
0x23: {  	_ =	swait.ge [sflag:s13], $0x9C80  }
0x24: {  	[sflag:s13] =	ssyncset.done $0x0  }
0x25: {  	[sflag:s13] =	ssyncadd.s32 $0xFFFF6380  }
0x26: {  	[tilespmem:s28], [sflag:$0x3] =	stream.linear.gather [hbm4b:s7+s28], $0x2800, $0x38;
	[tilespmem:$0x1C900] =	vst v63  }
0x27: {  	_ =	swait.ge [sflag:s13], $0x2800  }
0x28: {  	[sflag:s13] =	ssyncset.done $0x0  }
0x29: {  	[sflag:s13] =	ssyncadd.s32 $0xFFFFD800  }
0x2a: {  	[bflag:$0x0] =	sbarrier.arrive $0xFFFF  }
0x2b: {  	[tilespmem:s16], [sflag:$0x1] =	stream.indirect.gather [hbm4b:s4+s15], $0x40, s28, s15, $0xb8;
	[tilespmem:$0x1C900] =	vst v63  }
0x2c: {  	_ = 	snop  }
0x2d: {  	[tilespmem:s17], [sflag:$0x2] =	stream.indirect.gather [hbm4b:s4+s15], $0x40, s15, s15, $0xb8;
	[tilespmem:$0x1C900] =	vst v63  }
0x2e: {  	_ =	swait.ge [sflag:s18], $0x2000  }
0x2f: {  	[sflag:s18] =	ssyncset.done $0x0  }
0x30: {  	s29 =	simm.s32 $0x2800;
	[sflag:s18] =	ssyncadd.s32 $0xFFFFE000  }
0x31: {  	[spmem:s2] =	stream.indirect.scatter.add.f32 [tilespmem:s16], [sflag:$0x3], $0x40, s29, s15, $0xb8;
	[tilespmem:$0x1C900] =	vst v63  }
0x32: {  	_ =	swait.ge [sflag:s13], $0x2000  }
0x33: {  	[sflag:s13] =	ssyncset.done $0x0  }
0x34: {  	s30 =	simm.s32 $0x100;
	[sflag:s13] =	ssyncadd.s32 $0xFFFFE000  }
0x35: {  	[tilespmem:s16], [sflag:$0x1] =	stream.indirect.gather [hbm4b:s4+s15], $0x40, s30, s15, $0xb8;
	[tilespmem:$0x1C900] =	vst v63  }
0x36: {  	_ =	swait.ge [sflag:s19], $0x2000  }
0x37: {  	[sflag:s19] =	ssyncset.done $0x0  }
0x38: {  	s31 =	simm.s32 $0x2880;
	[sflag:s19] =	ssyncadd.s32 $0xFFFFE000  }
0x39: {  	[spmem:s2] =	stream.indirect.scatter.add.f32 [tilespmem:s17], [sflag:$0x3], $0x40, s31, s15, $0xb8;
	[tilespmem:$0x1C900] =	vst v63  }
0x3a: {  	_ =	swait.ge [sflag:s13], $0x2000  }
0x3b: {  	[sflag:s13] =	ssyncset.done $0x0  }
0x3c: {  	s22 =	simm.s32 $0x400;
	s23 =	simm.s32 $0x180;
	[sflag:s13] =	ssyncadd.s32 $0xFFFFE000  }
.LBB2_4:
0x3d: {  	[tilespmem:s17], [sflag:$0x2] =	stream.indirect.gather [hbm4b:s4+s15], $0x40, s23, s15, $0xb8;
	[tilespmem:$0x1C900] =	vst v63  }
0x3e: {  	s23 =	smov.u32 s22  }
0x3f: {  	p0 =	sne.s32 s22, $0x9800;
	s22 =	sadd.s32 $0x400, s22;
	_ =	swait.ge [sflag:s18], $0x2000  }
0x40: {  	s23 =	sshra.s32 s23, $0x2;
	[sflag:s18] =	ssyncset.done $0x0  }
0x41: {  	s24 =	sadd.s32 $0x2800, s23;
	[sflag:s18] =	ssyncadd.s32 $0xFFFFE000  }
0x42: {  	[spmem:s2] =	stream.indirect.scatter.add.f32 [tilespmem:s16], [sflag:$0x3], $0x40, s24, s15, $0xb8;
	[tilespmem:$0x1C900] =	vst v63  }
0x43: {  	_ =	swait.ge [sflag:s13], $0x2000  }
0x44: {  	[sflag:s13] =	ssyncset.done $0x0  }
0x45: {  	s24 =	sadd.s32 $0x100, s23;
	[sflag:s13] =	ssyncadd.s32 $0xFFFFE000  }
0x46: {  	[tilespmem:s16], [sflag:$0x1] =	stream.indirect.gather [hbm4b:s4+s15], $0x40, s24, s15, $0xb8;
	[tilespmem:$0x1C900] =	vst v63  }
0x47: {  	_ =	swait.ge [sflag:s19], $0x2000  }
0x48: {  	[sflag:s19] =	ssyncset.done $0x0  }
.Ltmp1:
0x49: {  	s24 =	sadd.s32 $0x2880, s23;
	[sflag:s19] =	ssyncadd.s32 $0xFFFFE000;
	(pc) =	sbr.rel @p0 .LBB2_4-.Ltmp1, $4  }
0x4a: {  	[spmem:s2] =	stream.indirect.scatter.add.f32 [tilespmem:s17], [sflag:$0x3], $0x40, s24, s15, $0xb8;
	[tilespmem:$0x1C900] =	vst v63  }
0x4b: {  	_ =	swait.ge [sflag:s13], $0x2000  }
0x4c: {  	[sflag:s13] =	ssyncset.done $0x0  }
0x4d: {  	s23 =	sadd.s32 $0x180, s23;
	[sflag:s13] =	ssyncadd.s32 $0xFFFFE000  }
0x4e: {  	[tilespmem:s17], [sflag:$0x2] =	stream.indirect.gather [hbm4b:s4+s15], $0x40, s23, s15, $0xb8;
	[tilespmem:$0x1C900] =	vst v63  }
0x4f: {  	_ =	swait.ge [sflag:s18], $0x2000  }
0x50: {  	[sflag:s18] =	ssyncset.done $0x0  }
0x51: {  	[sflag:s18] =	ssyncadd.s32 $0xFFFFE000  }
0x52: {  	[spmem:s2] =	stream.indirect.scatter.add.f32 [tilespmem:s16], [sflag:$0x3], $0x40, s20, s15, $0xb8;
	[tilespmem:$0x1C900] =	vst v63  }
0x53: {  	_ =	swait.ge [sflag:s13], $0x2000  }
0x54: {  	[sflag:s13] =	ssyncset.done $0x0  }
0x55: {  	[sflag:s13] =	ssyncadd.s32 $0xFFFFE000  }
0x56: {  	_ =	swait.ge [sflag:s19], $0x2000  }
0x57: {  	[sflag:s19] =	ssyncset.done $0x0  }
0x58: {  	[sflag:s19] =	ssyncadd.s32 $0xFFFFE000  }
0x59: {  	[spmem:s2] =	stream.indirect.scatter.add.f32 [tilespmem:s17], [sflag:$0x3], $0x40, s21, s15, $0xb8;
	[tilespmem:$0x1C900] =	vst v63  }
0x5a: {  	_ =	swait.ge [sflag:s13], $0x2000  }
0x5b: {  	[sflag:s13] =	ssyncset.done $0x0  }
0x5c: {  	s22 =	sshll.u32 s1, $0x6;
	[sflag:s13] =	ssyncadd.s32 $0xFFFFE000  }
0x5d: {  	s23 =	sshrl.u32 s6, $0x3;
	s22 =	sor.u32 $0x1C03, s22;
	[bflag:$0x0] =	sbarrier.arrive $0xFFFF  }
0x5e: {  	[hbm:s8], [sflag:s22] =	dma.local [spmem:s23], $0x1390  }
0x5f: {  	_ =	swait.ge [sflag:s13], $0x1390  }
0x60: {  	[sflag:s13] =	ssyncset.done $0x0  }
0x61: {  	[sflag:s13] =	ssyncadd.s32 $0xFFFFEC70  }
0x62: {  	[spmem:s6] =	stream.linear.scatter [tilespmem:s14], [sflag:$0x3], $0x9C80, $0x38;
	[tilespmem:$0x1C900] =	vst v63  }
0x63: {  	_ =	swait.ge [sflag:s13], $0x9C80  }
0x64: {  	[sflag:s13] =	ssyncset.done $0x0  }
0x65: {  	s24 =	simm.s32 $0x0;
	[sflag:s13] =	ssyncadd.s32 $0xFFFF6380  }
0x66: {  	[tilespmem:s24], [sflag:$0x3] =	stream.linear.gather [hbm4b:s9+s24], $0x2800, $0x38;
	[tilespmem:$0x1C900] =	vst v63  }
0x67: {  	_ =	swait.ge [sflag:s13], $0x2800  }
0x68: {  	[sflag:s13] =	ssyncset.done $0x0  }
0x69: {  	[sflag:s13] =	ssyncadd.s32 $0xFFFFD800  }
0x6a: {  	[bflag:$0x0] =	sbarrier.arrive $0xFFFF  }
0x6b: {  	[tilespmem:s16], [sflag:$0x1] =	stream.indirect.gather [hbm4b:s4+s15], $0x40, s24, s15, $0xb8;
	[tilespmem:$0x1C900] =	vst v63  }
0x6c: {  	_ = 	snop  }
0x6d: {  	[tilespmem:s17], [sflag:$0x2] =	stream.indirect.gather [hbm4b:s4+s15], $0x40, s15, s15, $0xb8;
	[tilespmem:$0x1C900] =	vst v63  }
0x6e: {  	_ =	swait.ge [sflag:s18], $0x2000  }
0x6f: {  	[sflag:s18] =	ssyncset.done $0x0  }
0x70: {  	s29 =	simm.s32 $0x2800;
	[sflag:s18] =	ssyncadd.s32 $0xFFFFE000  }
0x71: {  	[spmem:s2] =	stream.indirect.scatter.add.f32 [tilespmem:s16], [sflag:$0x3], $0x40, s29, s15, $0xb8;
	[tilespmem:$0x1C900] =	vst v63  }
0x72: {  	_ =	swait.ge [sflag:s13], $0x2000  }
0x73: {  	[sflag:s13] =	ssyncset.done $0x0  }
0x74: {  	s30 =	simm.s32 $0x100;
	[sflag:s13] =	ssyncadd.s32 $0xFFFFE000  }
0x75: {  	[tilespmem:s16], [sflag:$0x1] =	stream.indirect.gather [hbm4b:s4+s15], $0x40, s30, s15, $0xb8;
	[tilespmem:$0x1C900] =	vst v63  }
0x76: {  	_ =	swait.ge [sflag:s19], $0x2000  }
0x77: {  	[sflag:s19] =	ssyncset.done $0x0  }
0x78: {  	s31 =	simm.s32 $0x2880;
	[sflag:s19] =	ssyncadd.s32 $0xFFFFE000  }
0x79: {  	[spmem:s2] =	stream.indirect.scatter.add.f32 [tilespmem:s17], [sflag:$0x3], $0x40, s31, s15, $0xb8;
	[tilespmem:$0x1C900] =	vst v63  }
0x7a: {  	_ =	swait.ge [sflag:s13], $0x2000  }
0x7b: {  	[sflag:s13] =	ssyncset.done $0x0  }
0x7c: {  	s25 =	simm.s32 $0x180;
	s24 =	simm.s32 $0x400;
	[sflag:s13] =	ssyncadd.s32 $0xFFFFE000  }
.LBB2_6:
0x7d: {  	[tilespmem:s17], [sflag:$0x2] =	stream.indirect.gather [hbm4b:s4+s15], $0x40, s25, s15, $0xb8;
	[tilespmem:$0x1C900] =	vst v63  }
0x7e: {  	s25 =	smov.u32 s24  }
0x7f: {  	p0 =	sne.s32 s24, $0x9800;
	s24 =	sadd.s32 $0x400, s24;
	_ =	swait.ge [sflag:s18], $0x2000  }
0x80: {  	s25 =	sshra.s32 s25, $0x2;
	[sflag:s18] =	ssyncset.done $0x0  }
0x81: {  	s26 =	sadd.s32 $0x2800, s25;
	[sflag:s18] =	ssyncadd.s32 $0xFFFFE000  }
0x82: {  	[spmem:s2] =	stream.indirect.scatter.add.f32 [tilespmem:s16], [sflag:$0x3], $0x40, s26, s15, $0xb8;
	[tilespmem:$0x1C900] =	vst v63  }
0x83: {  	_ =	swait.ge [sflag:s13], $0x2000  }
0x84: {  	[sflag:s13] =	ssyncset.done $0x0  }
0x85: {  	s26 =	sadd.s32 $0x100, s25;
	[sflag:s13] =	ssyncadd.s32 $0xFFFFE000  }
0x86: {  	[tilespmem:s16], [sflag:$0x1] =	stream.indirect.gather [hbm4b:s4+s15], $0x40, s26, s15, $0xb8;
	[tilespmem:$0x1C900] =	vst v63  }
0x87: {  	_ =	swait.ge [sflag:s19], $0x2000  }
0x88: {  	[sflag:s19] =	ssyncset.done $0x0  }
.Ltmp2:
0x89: {  	s26 =	sadd.s32 $0x2880, s25;
	[sflag:s19] =	ssyncadd.s32 $0xFFFFE000;
	(pc) =	sbr.rel @p0 .LBB2_6-.Ltmp2, $4  }
0x8a: {  	[spmem:s2] =	stream.indirect.scatter.add.f32 [tilespmem:s17], [sflag:$0x3], $0x40, s26, s15, $0xb8;
	[tilespmem:$0x1C900] =	vst v63  }
0x8b: {  	_ =	swait.ge [sflag:s13], $0x2000  }
0x8c: {  	[sflag:s13] =	ssyncset.done $0x0  }
0x8d: {  	s25 =	sadd.s32 $0x180, s25;
	[sflag:s13] =	ssyncadd.s32 $0xFFFFE000  }
0x8e: {  	[tilespmem:s17], [sflag:$0x2] =	stream.indirect.gather [hbm4b:s4+s15], $0x40, s25, s15, $0xb8;
	[tilespmem:$0x1C900] =	vst v63  }
0x8f: {  	_ =	swait.ge [sflag:s18], $0x2000  }
0x90: {  	[sflag:s18] =	ssyncset.done $0x0  }
0x91: {  	[sflag:s18] =	ssyncadd.s32 $0xFFFFE000  }
0x92: {  	[spmem:s2] =	stream.indirect.scatter.add.f32 [tilespmem:s16], [sflag:$0x3], $0x40, s20, s15, $0xb8;
	[tilespmem:$0x1C900] =	vst v63  }
0x93: {  	_ =	swait.ge [sflag:s13], $0x2000  }
0x94: {  	[sflag:s13] =	ssyncset.done $0x0  }
0x95: {  	[sflag:s13] =	ssyncadd.s32 $0xFFFFE000  }
0x96: {  	_ =	swait.ge [sflag:s19], $0x2000  }
0x97: {  	[sflag:s19] =	ssyncset.done $0x0  }
0x98: {  	[sflag:s19] =	ssyncadd.s32 $0xFFFFE000  }
0x99: {  	[spmem:s2] =	stream.indirect.scatter.add.f32 [tilespmem:s17], [sflag:$0x3], $0x40, s21, s15, $0xb8;
	[tilespmem:$0x1C900] =	vst v63  }
0x9a: {  	_ =	swait.ge [sflag:s13], $0x2000  }
0x9b: {  	s3 =	sadd.s32 $0x1, s3;
	[sflag:s13] =	ssyncset.done $0x0  }
0x9c: {  	p0 =	sne.s32 s3, s11;
	[sflag:s13] =	ssyncadd.s32 $0xFFFFE000  }
.Ltmp3:
0x9d: {  	[bflag:$0x0] =	sbarrier.arrive $0xFFFF;
	(pc) =	sbr.rel @p0 .LBB2_1-.Ltmp3, $4  }
0x9e: {  	[hbm:s10], [sflag:s22] =	dma.local [spmem:s23], $0x1390  }
0x9f: {  	_ =	swait.ge [sflag:s13], $0x1390  }
0xa0: {  	[sflag:s13] =	ssyncset.done $0x0  }
0xa1: {  	[sflag:s13] =	ssyncadd.s32 $0xFFFFEC70  }
0xa2: {  	_ =	sfence.sel $0x180000  }
0xa3: {  	[bflag:$0x0] =	sbarrier.arrive $0xFFFF  }
0xa4: {  	p0 =	sne.s32 s1, $0x0;
	_ =	strace $0x9000004A  }
0xa5: {  	s0 =	sadd.s32 @!p0 $0x100000, s0;
	[bflag:$0x2] =	sbarrier.arrive $0xFFFF  }
0xa6: {  	[sflag:s0] =	ssyncadd.tile.s32 @!p0 $0x1;
	_ =	shalt  }
.Lfunc_end2:
_tile_overlayer_lowered:
.L_overlay_start_2:
0xa7: {  	(tag) =	ssettag $0x2  }
0xa8: {  	s0 =	rddreg [dreg:$0x0];
	s2 =	stileid.u32  }
0xa9: {  	s1 =	rddreg [dreg:$0x1];
	p0 =	sne.s32 s2, $0x0  }
0xaa: {  	s3 =	rddreg [dreg:$0x2];
	[bflag:$0x3] =	sbarrier.arrive $0xFFFF;
	s2 =	simm.s32 @!p0 $0x1C03  }
0xab: {  	[timem:s3], [sflag:s2] =	dma.local @!p0 [hbm:s0], s1  }
0xac: {  	s0 =	simm.s32 @!p0 $0x3  }
0xad: {  	_ =	swait.ge @!p0 [sflag:s0], s1  }
0xae: {  	s1 =	ssub.s32 @!p0 $0x0, s1;
	[sflag:s0] =	ssyncset.done @!p0 $0x0  }
0xaf: {  	[sflag:s0] =	ssyncadd.s32 @!p0 s1  }
0xb0: {  	[bflag:$0x3] =	sbarrier.arrive $0xFFFF  }
0xb1: {  	_ =	shalt  }

// kernel: agg.7.cloned.1.call-start
scs
__scs_entry_jumppad:
0x0: {  	(pc) =	sbr.rel $0x88, $3  }
0x1: {  	(tag) =	ssettag $0x0;
	lr =	simm.s32 $0x1  }
0x2: {  	[smem:$0x3F9B] =	sst lr;
	_ =	strace $0xD0000000  }
0x3: {  	_ = 	snop  }
0x4: {  	_ = 	snop  }
0x5: {  	_ = 	snop  }
0x6: {  	_ = 	snop  }
0x7: {  	_ = 	snop  }
__scs_overlays_trampoline_lowered:
0x8: {  	[smem:$0x3FAA] =	sst s0  }
0x9: {  	[smem:$0x3FAB] =	sst s1  }
0xa: {  	[smem:$0x3FAC] =	sst s2  }
0xb: {  	[smem:$0x3FAD] =	sst s3  }
0xc: {  	[smem:$0x3FAE] =	sst s4  }
0xd: {  	[smem:$0x3FAF] =	sst s5  }
0xe: {  	[smem:$0x3FB0] =	sst s6  }
0xf: {  	[smem:$0x3FB1] =	sst s7  }
0x10: {  	[smem:$0x3FB2] =	sst s8  }
0x11: {  	[smem:$0x3FB3] =	sst s9;
	s0 =	simm.s32 @!p0 $0x0  }
0x12: {  	s1 =	sld [smem:$0x3F99];
	s0 =	simm.s32 @p0 $0x1  }
0x13: {  	[smem:$0x3FB4] =	sst s0;
	s0 =	simm.s32 @!p1 $0x0  }
0x14: {  	s2 =	sld [smem:$0x3F98];
	s0 =	simm.s32 @p1 $0x1  }
0x15: {  	[smem:$0x3FB5] =	sst s0;
	s0 =	simm.s32 @!p2 $0x0  }
0x16: {  	s3 =	sld [smem:$0x3FDB];
	s0 =	simm.s32 @p2 $0x1  }
0x17: {  	s4 =	simm.s32 $0x1BF5;
	[smem:$0x3FB7] =	sst s0  }
0x18: {  	s0 =	sld [smem:$0x3F9A];
	_ =	swait.ge [sflag:s4], $0x0  }
0x19: {  	s7 =	sld [smem:$0x3F9B]  }
0x1a: {  	s8 =	sadd.s32 $0xFFFFE003, lr  }
0x1b: {  	s9 =	sadd.s32 $0xFFFFFEF7, lr;
	s5 =	simm.s32 $0xFFFFFFFF;
	p2 =	slt.u32 s8, $0xFFFFF086  }
0x1c: {  	p1 =	slt.u32 s9, $0xF7A;
	s5 =	simm.s32 @!p2 $0x0  }
0x1d: {  	s5 =	simm.s32 @p1 $0x1;
	p0 =	seq.s32 s7, s2  }
0x1e: {  	s7 =	smul.u32 @!p0 $0xF7A, s2;
	p2 =	seq.s32 @!p0 s5, $0x0  }
0x1f: {  	s9 =	smul.u32 $0xF7A, s1;
	s8 =	simm.s32 @!p0 $0x1BF5;
	p2 =	por !p2, p0  }
0x20: {  	[sflag:s8] =	ssyncset.s32 @!p0 $0xFFFFF086;
	s6 =	sadd.s32 @!p0 s3, s7;
	s7 =	simm.s32 @!p0 $0x108  }
0x21: {  	s3 =	sadd.s32 s3, s9;
	s6 =	sadd.s32 @!p0 $0x88, s6;
	s7 =	simm.s32 @p2 $0x1082  }
0x22: {  	[simem:s7], [sflag:s8] =	dma.local @!p0 [hbm:s6], $0xF7A  }
0x23: {  	s9 =	sor.u32 $0xD0000000, s2;
	s6 =	simm.s32 $0x108;
	_ =	swait.ge @!p0 [sflag:s8], $0x0  }
0x24: {  	s3 =	sadd.s32 $0x88, s3;
	s6 =	simm.s32 @!p1 $0x1082;
	[sflag:s4] =	ssyncset.s32 $0xFFFFF086  }
0x25: {  	[simem:s6], [sflag:s4] =	dma.local [hbm:s3], $0xF7A  }
0x26: {  	[smem:$0x3F9B] =	sst s1;
	(tag) =	ssettag s2;
	_ =	strace s9  }
0x27: {  	s1 =	sld [smem:$0x3FAB]  }
0x28: {  	s2 =	sld [smem:$0x3FAC]  }
0x29: {  	s4 =	sld [smem:$0x3FAE]  }
0x2a: {  	p0 =	seq.s32 s5, $0x0;
	s5 =	sld [smem:$0x3FAF]  }
0x2b: {  	s6 =	sld [smem:$0x3FB0]  }
0x2c: {  	s7 =	sld [smem:$0x3FB1]  }
0x2d: {  	s3 =	simm.s32 $0x108;
	s8 =	sld [smem:$0x3FB2]  }
0x2e: {  	s3 =	simm.s32 @!p0 $0x1082;
	s9 =	sld [smem:$0x3FB3]  }
0x2f: {  	lr =	sadd.s32 s0, s3;
	s0 =	sld [smem:$0x3FAA]  }
0x30: {  	s3 =	sld [smem:$0x3FAD]  }
0x31: {  	[smem:$0x3FB6] =	sst s10  }
0x32: {  	s10 =	sld [smem:$0x3FB4];
	_ =	sdelay $0x3  }
0x33: {  	p0 =	seq.s32 s10, $0x1;
	s10 =	sld [smem:$0x3FB6];
	_ =	sdelay $0x3  }
0x34: {  	[smem:$0x3FB6] =	sst s10  }
0x35: {  	s10 =	sld [smem:$0x3FB5];
	_ =	sdelay $0x3  }
0x36: {  	p1 =	seq.s32 s10, $0x1;
	s10 =	sld [smem:$0x3FB6];
	_ =	sdelay $0x3  }
0x37: {  	[smem:$0x3FB6] =	sst s10  }
0x38: {  	s10 =	sld [smem:$0x3FB7]  }
0x39: {  	_ = 	snop;
	(pc) =	sbr.ind lr, $3  }
0x3a: {  	_ = 	snop  }
0x3b: {  	_ = 	snop  }
0x3c: {  	p2 =	seq.s32 s10, $0x1;
	s10 =	sld [smem:$0x3FB6]  }
0x3d: {  	_ =	shalt  }
0x3e: {  	_ =	shalt  }
0x3f: {  	_ =	shalt  }
0x40: {  	_ =	shalt  }
0x41: {  	_ =	shalt  }
0x42: {  	_ =	shalt  }
0x43: {  	_ =	shalt  }
0x44: {  	_ =	shalt  }
0x45: {  	_ =	shalt  }
0x46: {  	_ =	shalt  }
0x47: {  	_ =	shalt  }
0x48: {  	_ =	shalt  }
0x49: {  	_ =	shalt  }
0x4a: {  	_ =	shalt  }
0x4b: {  	_ =	shalt  }
0x4c: {  	_ =	shalt  }
0x4d: {  	_ =	shalt  }
0x4e: {  	_ =	shalt  }
0x4f: {  	_ =	shalt  }
0x50: {  	_ =	shalt  }
0x51: {  	_ =	shalt  }
0x52: {  	_ =	shalt  }
0x53: {  	_ =	shalt  }
0x54: {  	_ =	shalt  }
0x55: {  	_ =	shalt  }
0x56: {  	_ =	shalt  }
0x57: {  	_ =	shalt  }
0x58: {  	_ =	shalt  }
0x59: {  	_ =	shalt  }
0x5a: {  	_ =	shalt  }
0x5b: {  	_ =	shalt  }
0x5c: {  	_ =	shalt  }
0x5d: {  	_ =	shalt  }
0x5e: {  	_ =	shalt  }
0x5f: {  	_ =	shalt  }
0x60: {  	_ =	shalt  }
0x61: {  	_ =	shalt  }
0x62: {  	_ =	shalt  }
0x63: {  	_ =	shalt  }
0x64: {  	_ =	shalt  }
0x65: {  	_ =	shalt  }
0x66: {  	_ =	shalt  }
0x67: {  	_ =	shalt  }
0x68: {  	_ =	shalt  }
0x69: {  	_ =	shalt  }
0x6a: {  	_ =	shalt  }
0x6b: {  	_ =	shalt  }
0x6c: {  	_ =	shalt  }
0x6d: {  	_ =	shalt  }
0x6e: {  	_ =	shalt  }
0x6f: {  	_ =	shalt  }
0x70: {  	_ =	shalt  }
0x71: {  	_ =	shalt  }
0x72: {  	_ =	shalt  }
0x73: {  	_ =	shalt  }
0x74: {  	_ =	shalt  }
0x75: {  	_ =	shalt  }
0x76: {  	_ =	shalt  }
0x77: {  	_ =	shalt  }
0x78: {  	_ =	shalt  }
0x79: {  	_ =	shalt  }
0x7a: {  	_ =	shalt  }
0x7b: {  	_ =	shalt  }
0x7c: {  	_ =	shalt  }
0x7d: {  	_ =	shalt  }
0x7e: {  	_ =	shalt  }
0x7f: {  	_ =	shalt  }
0x80: {  	_ =	shalt  }
0x81: {  	_ =	shalt  }
0x82: {  	_ =	shalt  }
0x83: {  	_ =	shalt  }
0x84: {  	_ =	shalt  }
0x85: {  	_ =	shalt  }
0x86: {  	_ =	shalt  }
0x87: {  	_ =	shalt  }
.Lfunc_end0:
.L_simem_size_0:
called_computation.2_lowered:
.L_overlay_start_0:
0x88: {  	s2 =	sld [smem:$0x3FD9]  }
0x89: {  	s3 =	sld [smem:$0x3FFE];
	_ =	sdelay $0x1  }
0x8a: {  	s1 =	srdreg.scid  }
0x8b: {  	s0 =	sand.u32 $0x1, s1  }
0x8c: {  	s17 =	sshll.u32 s0, $0xA;
	s2 =	sadd.s32 s3, s2  }
0x8d: {  	s2 =	sadd.s32 s2, s17  }
0x8e: {  	[smem:$0x3FC2] =	sst s2  }
0x8f: {  	_ = 	snop  }
0x90: {  	s2 =	sld [smem:$0x3FD0];
	(tm) =	ssettm $0x1  }
0x91: {  	s18 =	sld [smem:$0x3FFB];
	_ =	sdelay $0x3  }
0x92: {  	_ =	strace s18  }
0x93: {  	s3 =	sld [smem:$0x3FFC];
	_ =	sdelay $0x3  }
0x94: {  	_ =	strace s3  }
0x95: {  	s3 =	sld [smem:$0x3FFD];
	_ =	sdelay $0x3  }
0x96: {  	_ =	strace s3  }
0x97: {  	_ =	strace $0x8FFFFFFF  }
0x98: {  	s19 =	sld [smem:$0x3FDB];
	_ =	sdelay $0x1  }
0x99: {  	s4 =	simm.s32 $_scs_section_size  }
0x9a: {  	s5 =	simm.s32 $_size__tile_overlayer_lowered;
	s6 =	simm.s32 $_tile_overlayer_lowered  }
0x9b: {  	s22 =	simm.s32 $0x1BFF;
	s21 =	sshll.u32 s6, $0x1;
	s3 =	sadd.s32 s4, s19  }
0x9c: {  	s7 =	simm.s32 $0x0;
	s20 =	sshll.u32 s5, $0x1;
	s5 =	sadd.s32 s21, s3  }
0x9d: {  	[timem:s7], [sflag:s22] =	dma.local [hbm:s5], s20  }
0x9e: {  	_ =	swait.ge [sflag:s22], s20  }
0x9f: {  	s4 =	ssub.s32 $0x0, s20;
	[sflag:s22] =	ssyncset.done $0x0  }
0xa0: {  	[sflag:s22] =	ssyncadd.s32 s4;
	_ =	sdelay $0x1  }
0xa1: {  	s23 =	simm.s32 $0x1B8B  }
0xa2: {  	_ =	swait.ge [sflag:s23], $0x1  }
0xa3: {  	[sflag:s23] =	ssyncset.done $0x0  }
0xa4: {  	s25 =	simm.s32 $0x1B8E;
	s24 =	sld [smem:$0x3FFE];
	[sflag:s23] =	ssyncadd.s32 $0xFFFFFFFF  }
0xa5: {  	s26 =	simm.s32 $execute0_lowered;
	[smem:$0x3FD2] =	sst s25  }
0xa6: {  	s5 =	sshll.u32 s26, $0x1;
	_ =	strace $0x8000004C;
	[dreg:$0x1] =	wrdreg $0xFFFFFFFF  }
0xa7: {  	s28 =	simm.s32 $_size_execute0_lowered;
	s3 =	sadd.s32 s3, s5;
	[dreg:$0x0] =	wrdreg $0x0  }
0xa8: {  	s5 =	sshll.u32 s28, $0x1;
	[dreg:$0x2] =	wrdreg s3  }
0xa9: {  	[dreg:$0x3] =	wrdreg s5  }
0xaa: {  	[dreg:$0x4] =	wrdreg $0xC0  }
0xab: {  	_ =	task [dreg:s7], $0x5FFFF  }
0xac: {  	[dreg:$0x1] =	wrdreg $0xFFFFFFFF  }
0xad: {  	[dreg:$0x0] =	wrdreg $0x60  }
0xae: {  	[dreg:$0x2] =	wrdreg s24  }
0xaf: {  	[dreg:$0x3] =	wrdreg s2  }
0xb0: {  	[dreg:$0x4] =	wrdreg $0x12C800  }
0xb1: {  	[dreg:$0x5] =	wrdreg $0x9  }
0xb2: {  	_ =	task.clear_ibuf [dreg:s7], $0x6FFFF;
	_ =	strace $0x9000004C  }
0xb3: {  	s29 =	simm.s32 $0x9;
	_ =	strace $0x8000004E  }
0xb4: {  	_ =	swait.ge [sflag:s29], $0x1  }
0xb5: {  	[sflag:s29] =	ssyncadd.s32 $0xFFFFFFFF  }
0xb6: {  	_ =	strace $0x9000004E  }
0xb7: {  	_ =	sfence  }
0xb8: {  	s30 =	sld [smem:$0x0];
	_ =	sdelay $0x2  }
0xb9: {  	s31 =	sshll.u32 s1, $0xD;
	s1 =	sshrl.u32 s1, $0x2  }
0xba: {  	s3 =	sand.u32 $0x4000, s31;
	s1 =	sadd.s32 s1, s30  }
0xbb: {  	s0 =	sor.u32 s3, s0;
	s1 =	sshll.u32 s1, $0x11  }
0xbc: {  	s0 =	sor.u32 s1, s0  }
0xbd: {  	s0 =	sadd.s32 $0x8F2B, s0  }
0xbe: {  	[sflag:s0] =	ssyncadd.remote.s32 $0x1  }
0xbf: {  	_ =	sfence.sel $0xFFFF  }
0xc0: {  	[dreg:$0x0] =	wrdreg $0xFFFFFFFF;
	(pc) =	sbr.abs _section_cstart, $3  }
0xc1: {  	[dreg:$0x1] =	wrdreg $0xFFFFFFFF  }
0xc2: {  	_ =	task.clear_ibuf [dreg:s7], $0x2FFFF;
	_ =	strace $0x9FFFFFFF  }
0xc3: {  	(tm) =	ssettm $0x7FFFFFFF  }
tec
execute0_lowered:
.L_overlay_start_1:
0x0: {  	(tag) =	ssettag $0x1  }
0x1: {  	s5 =	rddreg [dreg:$0x0]  }
0x2: {  	s9 =	rddreg [dreg:$0x1]  }
0x3: {  	s2 =	rddreg [dreg:$0x2]  }
0x4: {  	s0 =	rddreg [dreg:$0x3]  }
0x5: {  	s3 =	simm.s32 $0x0;
	s1 =	stileid.u32;
	s6 =	srdreg.scid  }
0x6: {  	s16 =	simm.s32 $0xEC80;
	s17 =	simm.s32 $0x10C80;
	s18 =	simm.s32 $0x1  }
0x7: {  	s19 =	simm.s32 $0x2;
	s20 =	simm.s32 $0x4F00;
	s21 =	simm.s32 $0x4F80  }
0x8: {  	[smem:$0x7FF] =	sst s3;
	s8 =	smul.u32 $0x2800, s1;
	s4 =	sadd.s32 $0xBA00, s5  }
0x9: {  	s6 =	sand.u32 $0x1, s6;
	s11 =	smul.u32 $0x9C80, s1;
	s12 =	sadd.s32 $0x5AA00, s5  }
0xa: {  	_ =	strace $0x8000004D;
	s10 =	ssub.s32 $0x2, s6;
	s13 =	smul.u32 $0x50000, s6  }
0xb: {  	s28 =	smul.u32 $0x13C000, s6;
	s15 =	sshllo.u32 s6, $0x1;
	s7 =	sshrl.u32 s8, $0x3  }
0xc: {  	s26 =	sshrl.u32 s10, $0x1;
	s30 =	smul.u32 $0x28000, s15;
	s6 =	sadd.s32 s11, s2  }
0xd: {  	s15 =	smul.u32 $0x9E000, s15;
	s7 =	sadd.s32 s7, s5;
	s14 =	ssub.s32 s10, s26  }
0xe: {  	s29 =	sadd.s32 s8, s13;
	s10 =	sadd.s32 s11, s28;
	s5 =	sadd.s32 $0x6A00, s7  }
0xf: {  	s7 =	sshrl.u32 s29, $0x3;
	s8 =	sadd.s32 s8, s30;
	s10 =	sshrl.u32 s10, $0x3  }
0x10: {  	s11 =	sadd.s32 s11, s15;
	s15 =	simm.s32 $0x80;
	s7 =	sadd.s32 s9, s7  }
0x11: {  	s13 =	sshrl.u32 s8, $0x3;
	s8 =	sadd.s32 s12, s10;
	s31 =	sshrl.u32 s11, $0x3  }
0x12: {  	s11 =	smax.u32 s14, $0x1;
	s14 =	simm.s32 $0x5000;
	s9 =	sadd.s32 s9, s13  }
0x13: {  	v0 =	vimm.f32 $0.0e+00;
	s10 =	sadd.s32 s12, s31;
	s12 =	simm.s32 $0x2800;
	s13 =	simm.s32 $0x3  }
.LBB2_1:
0x14: {  	s23 =	simm.s32 $0x100;
	s22 =	simm.s32 $0x0  }
.LBB2_2:
0x15: {  	p0 =	sne.s32 s23, $0x27100;
	[tilespmem:s22+$0x5030] =	vst v0;
	s24 =	smov.u32 s23;
	s23 =	sadd.s32 $0x100, s23  }
.Ltmp0:
0x16: {  	[tilespmem:s22+$0x5020] =	vst v0;
	(pc) =	sbr.rel @p0 .LBB2_2-.Ltmp0, $3  }
0x17: {  	[tilespmem:s22+$0x5000] =	vst v0  }
0x18: {  	[tilespmem:s22+$0x5010] =	vst v0;
	_ =	sdelay $0x1  }
0x19: {  	s22 =	sshra.s32 s24, $0x2  }
0x1a: {  	[tilespmem:s22+$0x5030] =	vst v0  }
0x1b: {  	[tilespmem:s22+$0x5020] =	vst v0  }
0x1c: {  	[tilespmem:s22+$0x5000] =	vst v0  }
0x1d: {  	[tilespmem:s22+$0x5010] =	vst v0;
	s28 =	simm.s32 $0x0  }
0x1e: {  	[tilespmem:s12], [sflag:$0x3] =	stream.linear.gather [hbm4b:s5+s28], $0x2800, $0x38;
	[tilespmem:$0x1C900] =	vst v63  }
0x1f: {  	_ =	swait.ge [sflag:s13], $0x2800  }
0x20: {  	[sflag:s13] =	ssyncset.done $0x0  }
0x21: {  	[sflag:s13] =	ssyncadd.s32 $0xFFFFD800  }
0x22: {  	[spmem:s6] =	stream.linear.scatter [tilespmem:s14], [sflag:$0x3], $0x9C80, $0x38;
	[tilespmem:$0x1C900] =	vst v63  }
0x23: {  	_ =	swait.ge [sflag:s13], $0x9C80  }
0x24: {  	[sflag:s13] =	ssyncset.done $0x0  }
0x25: {  	[sflag:s13] =	ssyncadd.s32 $0xFFFF6380  }
0x26: {  	[tilespmem:s28], [sflag:$0x3] =	stream.linear.gather [hbm4b:s7+s28], $0x2800, $0x38;
	[tilespmem:$0x1C900] =	vst v63  }
0x27: {  	_ =	swait.ge [sflag:s13], $0x2800  }
0x28: {  	[sflag:s13] =	ssyncset.done $0x0  }
0x29: {  	[sflag:s13] =	ssyncadd.s32 $0xFFFFD800  }
0x2a: {  	[bflag:$0x0] =	sbarrier.arrive $0xFFFF  }
0x2b: {  	[tilespmem:s16], [sflag:$0x1] =	stream.indirect.gather [hbm4b:s4+s15], $0x40, s28, s15, $0xb8;
	[tilespmem:$0x1C900] =	vst v63  }
0x2c: {  	_ = 	snop  }
0x2d: {  	[tilespmem:s17], [sflag:$0x2] =	stream.indirect.gather [hbm4b:s4+s15], $0x40, s15, s15, $0xb8;
	[tilespmem:$0x1C900] =	vst v63  }
0x2e: {  	_ =	swait.ge [sflag:s18], $0x2000  }
0x2f: {  	[sflag:s18] =	ssyncset.done $0x0  }
0x30: {  	s29 =	simm.s32 $0x2800;
	[sflag:s18] =	ssyncadd.s32 $0xFFFFE000  }
0x31: {  	[spmem:s2] =	stream.indirect.scatter.add.f32 [tilespmem:s16], [sflag:$0x3], $0x40, s29, s15, $0xb8;
	[tilespmem:$0x1C900] =	vst v63  }
0x32: {  	_ =	swait.ge [sflag:s13], $0x2000  }
0x33: {  	[sflag:s13] =	ssyncset.done $0x0  }
0x34: {  	s30 =	simm.s32 $0x100;
	[sflag:s13] =	ssyncadd.s32 $0xFFFFE000  }
0x35: {  	[tilespmem:s16], [sflag:$0x1] =	stream.indirect.gather [hbm4b:s4+s15], $0x40, s30, s15, $0xb8;
	[tilespmem:$0x1C900] =	vst v63  }
0x36: {  	_ =	swait.ge [sflag:s19], $0x2000  }
0x37: {  	[sflag:s19] =	ssyncset.done $0x0  }
0x38: {  	s31 =	simm.s32 $0x2880;
	[sflag:s19] =	ssyncadd.s32 $0xFFFFE000  }
0x39: {  	[spmem:s2] =	stream.indirect.scatter.add.f32 [tilespmem:s17], [sflag:$0x3], $0x40, s31, s15, $0xb8;
	[tilespmem:$0x1C900] =	vst v63  }
0x3a: {  	_ =	swait.ge [sflag:s13], $0x2000  }
0x3b: {  	[sflag:s13] =	ssyncset.done $0x0  }
0x3c: {  	s22 =	simm.s32 $0x400;
	s23 =	simm.s32 $0x180;
	[sflag:s13] =	ssyncadd.s32 $0xFFFFE000  }
.LBB2_4:
0x3d: {  	[tilespmem:s17], [sflag:$0x2] =	stream.indirect.gather [hbm4b:s4+s15], $0x40, s23, s15, $0xb8;
	[tilespmem:$0x1C900] =	vst v63  }
0x3e: {  	s23 =	smov.u32 s22  }
0x3f: {  	p0 =	sne.s32 s22, $0x9800;
	s22 =	sadd.s32 $0x400, s22;
	_ =	swait.ge [sflag:s18], $0x2000  }
0x40: {  	s23 =	sshra.s32 s23, $0x2;
	[sflag:s18] =	ssyncset.done $0x0  }
0x41: {  	s24 =	sadd.s32 $0x2800, s23;
	[sflag:s18] =	ssyncadd.s32 $0xFFFFE000  }
0x42: {  	[spmem:s2] =	stream.indirect.scatter.add.f32 [tilespmem:s16], [sflag:$0x3], $0x40, s24, s15, $0xb8;
	[tilespmem:$0x1C900] =	vst v63  }
0x43: {  	_ =	swait.ge [sflag:s13], $0x2000  }
0x44: {  	[sflag:s13] =	ssyncset.done $0x0  }
0x45: {  	s24 =	sadd.s32 $0x100, s23;
	[sflag:s13] =	ssyncadd.s32 $0xFFFFE000  }
0x46: {  	[tilespmem:s16], [sflag:$0x1] =	stream.indirect.gather [hbm4b:s4+s15], $0x40, s24, s15, $0xb8;
	[tilespmem:$0x1C900] =	vst v63  }
0x47: {  	_ =	swait.ge [sflag:s19], $0x2000  }
0x48: {  	[sflag:s19] =	ssyncset.done $0x0  }
.Ltmp1:
0x49: {  	s24 =	sadd.s32 $0x2880, s23;
	[sflag:s19] =	ssyncadd.s32 $0xFFFFE000;
	(pc) =	sbr.rel @p0 .LBB2_4-.Ltmp1, $4  }
0x4a: {  	[spmem:s2] =	stream.indirect.scatter.add.f32 [tilespmem:s17], [sflag:$0x3], $0x40, s24, s15, $0xb8;
	[tilespmem:$0x1C900] =	vst v63  }
0x4b: {  	_ =	swait.ge [sflag:s13], $0x2000  }
0x4c: {  	[sflag:s13] =	ssyncset.done $0x0  }
0x4d: {  	s23 =	sadd.s32 $0x180, s23;
	[sflag:s13] =	ssyncadd.s32 $0xFFFFE000  }
0x4e: {  	[tilespmem:s17], [sflag:$0x2] =	stream.indirect.gather [hbm4b:s4+s15], $0x40, s23, s15, $0xb8;
	[tilespmem:$0x1C900] =	vst v63  }
0x4f: {  	_ =	swait.ge [sflag:s18], $0x2000  }
0x50: {  	[sflag:s18] =	ssyncset.done $0x0  }
0x51: {  	[sflag:s18] =	ssyncadd.s32 $0xFFFFE000  }
0x52: {  	[spmem:s2] =	stream.indirect.scatter.add.f32 [tilespmem:s16], [sflag:$0x3], $0x40, s20, s15, $0xb8;
	[tilespmem:$0x1C900] =	vst v63  }
0x53: {  	_ =	swait.ge [sflag:s13], $0x2000  }
0x54: {  	[sflag:s13] =	ssyncset.done $0x0  }
0x55: {  	[sflag:s13] =	ssyncadd.s32 $0xFFFFE000  }
0x56: {  	_ =	swait.ge [sflag:s19], $0x2000  }
0x57: {  	[sflag:s19] =	ssyncset.done $0x0  }
0x58: {  	[sflag:s19] =	ssyncadd.s32 $0xFFFFE000  }
0x59: {  	[spmem:s2] =	stream.indirect.scatter.add.f32 [tilespmem:s17], [sflag:$0x3], $0x40, s21, s15, $0xb8;
	[tilespmem:$0x1C900] =	vst v63  }
0x5a: {  	_ =	swait.ge [sflag:s13], $0x2000  }
0x5b: {  	[sflag:s13] =	ssyncset.done $0x0  }
0x5c: {  	s22 =	sshll.u32 s1, $0x6;
	[sflag:s13] =	ssyncadd.s32 $0xFFFFE000  }
0x5d: {  	s23 =	sshrl.u32 s6, $0x3;
	s22 =	sor.u32 $0x1C03, s22;
	[bflag:$0x0] =	sbarrier.arrive $0xFFFF  }
0x5e: {  	[hbm:s8], [sflag:s22] =	dma.local [spmem:s23], $0x1390  }
0x5f: {  	_ =	swait.ge [sflag:s13], $0x1390  }
0x60: {  	[sflag:s13] =	ssyncset.done $0x0  }
0x61: {  	[sflag:s13] =	ssyncadd.s32 $0xFFFFEC70  }
0x62: {  	[spmem:s6] =	stream.linear.scatter [tilespmem:s14], [sflag:$0x3], $0x9C80, $0x38;
	[tilespmem:$0x1C900] =	vst v63  }
0x63: {  	_ =	swait.ge [sflag:s13], $0x9C80  }
0x64: {  	[sflag:s13] =	ssyncset.done $0x0  }
0x65: {  	s24 =	simm.s32 $0x0;
	[sflag:s13] =	ssyncadd.s32 $0xFFFF6380  }
0x66: {  	[tilespmem:s24], [sflag:$0x3] =	stream.linear.gather [hbm4b:s9+s24], $0x2800, $0x38;
	[tilespmem:$0x1C900] =	vst v63  }
0x67: {  	_ =	swait.ge [sflag:s13], $0x2800  }
0x68: {  	[sflag:s13] =	ssyncset.done $0x0  }
0x69: {  	[sflag:s13] =	ssyncadd.s32 $0xFFFFD800  }
0x6a: {  	[bflag:$0x0] =	sbarrier.arrive $0xFFFF  }
0x6b: {  	[tilespmem:s16], [sflag:$0x1] =	stream.indirect.gather [hbm4b:s4+s15], $0x40, s24, s15, $0xb8;
	[tilespmem:$0x1C900] =	vst v63  }
0x6c: {  	_ = 	snop  }
0x6d: {  	[tilespmem:s17], [sflag:$0x2] =	stream.indirect.gather [hbm4b:s4+s15], $0x40, s15, s15, $0xb8;
	[tilespmem:$0x1C900] =	vst v63  }
0x6e: {  	_ =	swait.ge [sflag:s18], $0x2000  }
0x6f: {  	[sflag:s18] =	ssyncset.done $0x0  }
0x70: {  	s29 =	simm.s32 $0x2800;
	[sflag:s18] =	ssyncadd.s32 $0xFFFFE000  }
0x71: {  	[spmem:s2] =	stream.indirect.scatter.add.f32 [tilespmem:s16], [sflag:$0x3], $0x40, s29, s15, $0xb8;
	[tilespmem:$0x1C900] =	vst v63  }
0x72: {  	_ =	swait.ge [sflag:s13], $0x2000  }
0x73: {  	[sflag:s13] =	ssyncset.done $0x0  }
0x74: {  	s30 =	simm.s32 $0x100;
	[sflag:s13] =	ssyncadd.s32 $0xFFFFE000  }
0x75: {  	[tilespmem:s16], [sflag:$0x1] =	stream.indirect.gather [hbm4b:s4+s15], $0x40, s30, s15, $0xb8;
	[tilespmem:$0x1C900] =	vst v63  }
0x76: {  	_ =	swait.ge [sflag:s19], $0x2000  }
0x77: {  	[sflag:s19] =	ssyncset.done $0x0  }
0x78: {  	s31 =	simm.s32 $0x2880;
	[sflag:s19] =	ssyncadd.s32 $0xFFFFE000  }
0x79: {  	[spmem:s2] =	stream.indirect.scatter.add.f32 [tilespmem:s17], [sflag:$0x3], $0x40, s31, s15, $0xb8;
	[tilespmem:$0x1C900] =	vst v63  }
0x7a: {  	_ =	swait.ge [sflag:s13], $0x2000  }
0x7b: {  	[sflag:s13] =	ssyncset.done $0x0  }
0x7c: {  	s25 =	simm.s32 $0x180;
	s24 =	simm.s32 $0x400;
	[sflag:s13] =	ssyncadd.s32 $0xFFFFE000  }
.LBB2_6:
0x7d: {  	[tilespmem:s17], [sflag:$0x2] =	stream.indirect.gather [hbm4b:s4+s15], $0x40, s25, s15, $0xb8;
	[tilespmem:$0x1C900] =	vst v63  }
0x7e: {  	s25 =	smov.u32 s24  }
0x7f: {  	p0 =	sne.s32 s24, $0x9800;
	s24 =	sadd.s32 $0x400, s24;
	_ =	swait.ge [sflag:s18], $0x2000  }
0x80: {  	s25 =	sshra.s32 s25, $0x2;
	[sflag:s18] =	ssyncset.done $0x0  }
0x81: {  	s26 =	sadd.s32 $0x2800, s25;
	[sflag:s18] =	ssyncadd.s32 $0xFFFFE000  }
0x82: {  	[spmem:s2] =	stream.indirect.scatter.add.f32 [tilespmem:s16], [sflag:$0x3], $0x40, s26, s15, $0xb8;
	[tilespmem:$0x1C900] =	vst v63  }
0x83: {  	_ =	swait.ge [sflag:s13], $0x2000  }
0x84: {  	[sflag:s13] =	ssyncset.done $0x0  }
0x85: {  	s26 =	sadd.s32 $0x100, s25;
	[sflag:s13] =	ssyncadd.s32 $0xFFFFE000  }
0x86: {  	[tilespmem:s16], [sflag:$0x1] =	stream.indirect.gather [hbm4b:s4+s15], $0x40, s26, s15, $0xb8;
	[tilespmem:$0x1C900] =	vst v63  }
0x87: {  	_ =	swait.ge [sflag:s19], $0x2000  }
0x88: {  	[sflag:s19] =	ssyncset.done $0x0  }
.Ltmp2:
0x89: {  	s26 =	sadd.s32 $0x2880, s25;
	[sflag:s19] =	ssyncadd.s32 $0xFFFFE000;
	(pc) =	sbr.rel @p0 .LBB2_6-.Ltmp2, $4  }
0x8a: {  	[spmem:s2] =	stream.indirect.scatter.add.f32 [tilespmem:s17], [sflag:$0x3], $0x40, s26, s15, $0xb8;
	[tilespmem:$0x1C900] =	vst v63  }
0x8b: {  	_ =	swait.ge [sflag:s13], $0x2000  }
0x8c: {  	[sflag:s13] =	ssyncset.done $0x0  }
0x8d: {  	s25 =	sadd.s32 $0x180, s25;
	[sflag:s13] =	ssyncadd.s32 $0xFFFFE000  }
0x8e: {  	[tilespmem:s17], [sflag:$0x2] =	stream.indirect.gather [hbm4b:s4+s15], $0x40, s25, s15, $0xb8;
	[tilespmem:$0x1C900] =	vst v63  }
0x8f: {  	_ =	swait.ge [sflag:s18], $0x2000  }
0x90: {  	[sflag:s18] =	ssyncset.done $0x0  }
0x91: {  	[sflag:s18] =	ssyncadd.s32 $0xFFFFE000  }
0x92: {  	[spmem:s2] =	stream.indirect.scatter.add.f32 [tilespmem:s16], [sflag:$0x3], $0x40, s20, s15, $0xb8;
	[tilespmem:$0x1C900] =	vst v63  }
0x93: {  	_ =	swait.ge [sflag:s13], $0x2000  }
0x94: {  	[sflag:s13] =	ssyncset.done $0x0  }
0x95: {  	[sflag:s13] =	ssyncadd.s32 $0xFFFFE000  }
0x96: {  	_ =	swait.ge [sflag:s19], $0x2000  }
0x97: {  	[sflag:s19] =	ssyncset.done $0x0  }
0x98: {  	[sflag:s19] =	ssyncadd.s32 $0xFFFFE000  }
0x99: {  	[spmem:s2] =	stream.indirect.scatter.add.f32 [tilespmem:s17], [sflag:$0x3], $0x40, s21, s15, $0xb8;
	[tilespmem:$0x1C900] =	vst v63  }
0x9a: {  	_ =	swait.ge [sflag:s13], $0x2000  }
0x9b: {  	s3 =	sadd.s32 $0x1, s3;
	[sflag:s13] =	ssyncset.done $0x0  }
0x9c: {  	p0 =	sne.s32 s3, s11;
	[sflag:s13] =	ssyncadd.s32 $0xFFFFE000  }
.Ltmp3:
0x9d: {  	[bflag:$0x0] =	sbarrier.arrive $0xFFFF;
	(pc) =	sbr.rel @p0 .LBB2_1-.Ltmp3, $4  }
0x9e: {  	[hbm:s10], [sflag:s22] =	dma.local [spmem:s23], $0x1390  }
0x9f: {  	_ =	swait.ge [sflag:s13], $0x1390  }
0xa0: {  	[sflag:s13] =	ssyncset.done $0x0  }
0xa1: {  	[sflag:s13] =	ssyncadd.s32 $0xFFFFEC70  }
0xa2: {  	_ =	sfence.sel $0x180000  }
0xa3: {  	[bflag:$0x0] =	sbarrier.arrive $0xFFFF  }
0xa4: {  	p0 =	sne.s32 s1, $0x0;
	_ =	strace $0x9000004D  }
0xa5: {  	s0 =	sadd.s32 @!p0 $0x100000, s0;
	[bflag:$0x2] =	sbarrier.arrive $0xFFFF  }
0xa6: {  	[sflag:s0] =	ssyncadd.tile.s32 @!p0 $0x1;
	_ =	shalt  }
.Lfunc_end2:
_tile_overlayer_lowered:
.L_overlay_start_2:
0xa7: {  	(tag) =	ssettag $0x2  }
0xa8: {  	s0 =	rddreg [dreg:$0x0];
	s2 =	stileid.u32  }
0xa9: {  	s1 =	rddreg [dreg:$0x1];
	p0 =	sne.s32 s2, $0x0  }
0xaa: {  	s3 =	rddreg [dreg:$0x2];
	[bflag:$0x3] =	sbarrier.arrive $0xFFFF;
	s2 =	simm.s32 @!p0 $0x1C03  }
0xab: {  	[timem:s3], [sflag:s2] =	dma.local @!p0 [hbm:s0], s1  }
0xac: {  	s0 =	simm.s32 @!p0 $0x3  }
0xad: {  	_ =	swait.ge @!p0 [sflag:s0], s1  }
0xae: {  	s1 =	ssub.s32 @!p0 $0x0, s1;
	[sflag:s0] =	ssyncset.done @!p0 $0x0  }
0xaf: {  	[sflag:s0] =	ssyncadd.s32 @!p0 s1  }
0xb0: {  	[bflag:$0x3] =	sbarrier.arrive $0xFFFF  }
0xb1: {  	_ =	shalt  }

// kernel: kernel.6.cloned.1.call-start
scs
__scs_entry_jumppad:
0x0: {  	(pc) =	sbr.rel $0x88, $3  }
0x1: {  	(tag) =	ssettag $0x0;
	lr =	simm.s32 $0x1  }
0x2: {  	[smem:$0x3F9B] =	sst lr;
	_ =	strace $0xD0000000  }
0x3: {  	_ = 	snop  }
0x4: {  	_ = 	snop  }
0x5: {  	_ = 	snop  }
0x6: {  	_ = 	snop  }
0x7: {  	_ = 	snop  }
__scs_overlays_trampoline_lowered:
0x8: {  	[smem:$0x3FAA] =	sst s0  }
0x9: {  	[smem:$0x3FAB] =	sst s1  }
0xa: {  	[smem:$0x3FAC] =	sst s2  }
0xb: {  	[smem:$0x3FAD] =	sst s3  }
0xc: {  	[smem:$0x3FAE] =	sst s4  }
0xd: {  	[smem:$0x3FAF] =	sst s5  }
0xe: {  	[smem:$0x3FB0] =	sst s6  }
0xf: {  	[smem:$0x3FB1] =	sst s7  }
0x10: {  	[smem:$0x3FB2] =	sst s8  }
0x11: {  	[smem:$0x3FB3] =	sst s9;
	s0 =	simm.s32 @!p0 $0x0  }
0x12: {  	s1 =	sld [smem:$0x3F99];
	s0 =	simm.s32 @p0 $0x1  }
0x13: {  	[smem:$0x3FB4] =	sst s0;
	s0 =	simm.s32 @!p1 $0x0  }
0x14: {  	s2 =	sld [smem:$0x3F98];
	s0 =	simm.s32 @p1 $0x1  }
0x15: {  	[smem:$0x3FB5] =	sst s0;
	s0 =	simm.s32 @!p2 $0x0  }
0x16: {  	s3 =	sld [smem:$0x3FDB];
	s0 =	simm.s32 @p2 $0x1  }
0x17: {  	s4 =	simm.s32 $0x1BF5;
	[smem:$0x3FB7] =	sst s0  }
0x18: {  	s0 =	sld [smem:$0x3F9A];
	_ =	swait.ge [sflag:s4], $0x0  }
0x19: {  	s7 =	sld [smem:$0x3F9B]  }
0x1a: {  	s8 =	sadd.s32 $0xFFFFE003, lr  }
0x1b: {  	s9 =	sadd.s32 $0xFFFFFEF7, lr;
	s5 =	simm.s32 $0xFFFFFFFF;
	p2 =	slt.u32 s8, $0xFFFFF086  }
0x1c: {  	p1 =	slt.u32 s9, $0xF7A;
	s5 =	simm.s32 @!p2 $0x0  }
0x1d: {  	s5 =	simm.s32 @p1 $0x1;
	p0 =	seq.s32 s7, s2  }
0x1e: {  	s7 =	smul.u32 @!p0 $0xF7A, s2;
	p2 =	seq.s32 @!p0 s5, $0x0  }
0x1f: {  	s9 =	smul.u32 $0xF7A, s1;
	s8 =	simm.s32 @!p0 $0x1BF5;
	p2 =	por !p2, p0  }
0x20: {  	[sflag:s8] =	ssyncset.s32 @!p0 $0xFFFFF086;
	s6 =	sadd.s32 @!p0 s3, s7;
	s7 =	simm.s32 @!p0 $0x108  }
0x21: {  	s3 =	sadd.s32 s3, s9;
	s6 =	sadd.s32 @!p0 $0x88, s6;
	s7 =	simm.s32 @p2 $0x1082  }
0x22: {  	[simem:s7], [sflag:s8] =	dma.local @!p0 [hbm:s6], $0xF7A  }
0x23: {  	s9 =	sor.u32 $0xD0000000, s2;
	s6 =	simm.s32 $0x108;
	_ =	swait.ge @!p0 [sflag:s8], $0x0  }
0x24: {  	s3 =	sadd.s32 $0x88, s3;
	s6 =	simm.s32 @!p1 $0x1082;
	[sflag:s4] =	ssyncset.s32 $0xFFFFF086  }
0x25: {  	[simem:s6], [sflag:s4] =	dma.local [hbm:s3], $0xF7A  }
0x26: {  	[smem:$0x3F9B] =	sst s1;
	(tag) =	ssettag s2;
	_ =	strace s9  }
0x27: {  	s1 =	sld [smem:$0x3FAB]  }
0x28: {  	s2 =	sld [smem:$0x3FAC]  }
0x29: {  	s4 =	sld [smem:$0x3FAE]  }
0x2a: {  	p0 =	seq.s32 s5, $0x0;
	s5 =	sld [smem:$0x3FAF]  }
0x2b: {  	s6 =	sld [smem:$0x3FB0]  }
0x2c: {  	s7 =	sld [smem:$0x3FB1]  }
0x2d: {  	s3 =	simm.s32 $0x108;
	s8 =	sld [smem:$0x3FB2]  }
0x2e: {  	s3 =	simm.s32 @!p0 $0x1082;
	s9 =	sld [smem:$0x3FB3]  }
0x2f: {  	lr =	sadd.s32 s0, s3;
	s0 =	sld [smem:$0x3FAA]  }
0x30: {  	s3 =	sld [smem:$0x3FAD]  }
0x31: {  	[smem:$0x3FB6] =	sst s10  }
0x32: {  	s10 =	sld [smem:$0x3FB4];
	_ =	sdelay $0x3  }
0x33: {  	p0 =	seq.s32 s10, $0x1;
	s10 =	sld [smem:$0x3FB6];
	_ =	sdelay $0x3  }
0x34: {  	[smem:$0x3FB6] =	sst s10  }
0x35: {  	s10 =	sld [smem:$0x3FB5];
	_ =	sdelay $0x3  }
0x36: {  	p1 =	seq.s32 s10, $0x1;
	s10 =	sld [smem:$0x3FB6];
	_ =	sdelay $0x3  }
0x37: {  	[smem:$0x3FB6] =	sst s10  }
0x38: {  	s10 =	sld [smem:$0x3FB7]  }
0x39: {  	_ = 	snop;
	(pc) =	sbr.ind lr, $3  }
0x3a: {  	_ = 	snop  }
0x3b: {  	_ = 	snop  }
0x3c: {  	p2 =	seq.s32 s10, $0x1;
	s10 =	sld [smem:$0x3FB6]  }
0x3d: {  	_ =	shalt  }
0x3e: {  	_ =	shalt  }
0x3f: {  	_ =	shalt  }
0x40: {  	_ =	shalt  }
0x41: {  	_ =	shalt  }
0x42: {  	_ =	shalt  }
0x43: {  	_ =	shalt  }
0x44: {  	_ =	shalt  }
0x45: {  	_ =	shalt  }
0x46: {  	_ =	shalt  }
0x47: {  	_ =	shalt  }
0x48: {  	_ =	shalt  }
0x49: {  	_ =	shalt  }
0x4a: {  	_ =	shalt  }
0x4b: {  	_ =	shalt  }
0x4c: {  	_ =	shalt  }
0x4d: {  	_ =	shalt  }
0x4e: {  	_ =	shalt  }
0x4f: {  	_ =	shalt  }
0x50: {  	_ =	shalt  }
0x51: {  	_ =	shalt  }
0x52: {  	_ =	shalt  }
0x53: {  	_ =	shalt  }
0x54: {  	_ =	shalt  }
0x55: {  	_ =	shalt  }
0x56: {  	_ =	shalt  }
0x57: {  	_ =	shalt  }
0x58: {  	_ =	shalt  }
0x59: {  	_ =	shalt  }
0x5a: {  	_ =	shalt  }
0x5b: {  	_ =	shalt  }
0x5c: {  	_ =	shalt  }
0x5d: {  	_ =	shalt  }
0x5e: {  	_ =	shalt  }
0x5f: {  	_ =	shalt  }
0x60: {  	_ =	shalt  }
0x61: {  	_ =	shalt  }
0x62: {  	_ =	shalt  }
0x63: {  	_ =	shalt  }
0x64: {  	_ =	shalt  }
0x65: {  	_ =	shalt  }
0x66: {  	_ =	shalt  }
0x67: {  	_ =	shalt  }
0x68: {  	_ =	shalt  }
0x69: {  	_ =	shalt  }
0x6a: {  	_ =	shalt  }
0x6b: {  	_ =	shalt  }
0x6c: {  	_ =	shalt  }
0x6d: {  	_ =	shalt  }
0x6e: {  	_ =	shalt  }
0x6f: {  	_ =	shalt  }
0x70: {  	_ =	shalt  }
0x71: {  	_ =	shalt  }
0x72: {  	_ =	shalt  }
0x73: {  	_ =	shalt  }
0x74: {  	_ =	shalt  }
0x75: {  	_ =	shalt  }
0x76: {  	_ =	shalt  }
0x77: {  	_ =	shalt  }
0x78: {  	_ =	shalt  }
0x79: {  	_ =	shalt  }
0x7a: {  	_ =	shalt  }
0x7b: {  	_ =	shalt  }
0x7c: {  	_ =	shalt  }
0x7d: {  	_ =	shalt  }
0x7e: {  	_ =	shalt  }
0x7f: {  	_ =	shalt  }
0x80: {  	_ =	shalt  }
0x81: {  	_ =	shalt  }
0x82: {  	_ =	shalt  }
0x83: {  	_ =	shalt  }
0x84: {  	_ =	shalt  }
0x85: {  	_ =	shalt  }
0x86: {  	_ =	shalt  }
0x87: {  	_ =	shalt  }
.Lfunc_end0:
.L_simem_size_0:
called_computation_lowered:
.L_overlay_start_0:
0x88: {  	s2 =	sld [smem:$0x3FD9]  }
0x89: {  	s3 =	sld [smem:$0x3FFE];
	_ =	sdelay $0x1  }
0x8a: {  	s1 =	srdreg.scid  }
0x8b: {  	s0 =	sand.u32 $0x1, s1  }
0x8c: {  	s16 =	sshll.u32 s0, $0xA;
	s2 =	sadd.s32 s3, s2  }
0x8d: {  	s2 =	sadd.s32 s2, s16  }
0x8e: {  	[smem:$0x3FC2] =	sst s2  }
0x8f: {  	_ = 	snop  }
0x90: {  	(tm) =	ssettm $0x1  }
0x91: {  	s17 =	sld [smem:$0x3FFB];
	_ =	sdelay $0x3  }
0x92: {  	_ =	strace s17  }
0x93: {  	s2 =	sld [smem:$0x3FFC];
	_ =	sdelay $0x3  }
0x94: {  	_ =	strace s2  }
0x95: {  	s2 =	sld [smem:$0x3FFD];
	_ =	sdelay $0x3  }
0x96: {  	_ =	strace s2  }
0x97: {  	_ =	strace $0x8FFFFFFF  }
0x98: {  	s18 =	sld [smem:$0x3FDB];
	_ =	sdelay $0x1  }
0x99: {  	s19 =	simm.s32 $_scs_section_size  }
0x9a: {  	s4 =	simm.s32 $_size__tile_overlayer_lowered;
	s5 =	simm.s32 $_tile_overlayer_lowered  }
0x9b: {  	s22 =	simm.s32 $0x1BFF;
	s21 =	sshll.u32 s5, $0x1;
	s2 =	sadd.s32 s19, s18  }
0x9c: {  	s6 =	simm.s32 $0x0;
	s20 =	sshll.u32 s4, $0x1;
	s4 =	sadd.s32 s21, s2  }
0x9d: {  	[timem:s6], [sflag:s22] =	dma.local [hbm:s4], s20  }
0x9e: {  	_ =	swait.ge [sflag:s22], s20  }
0x9f: {  	s3 =	ssub.s32 $0x0, s20;
	[sflag:s22] =	ssyncset.done $0x0  }
0xa0: {  	[sflag:s22] =	ssyncadd.s32 s3;
	_ =	sdelay $0x1  }
0xa1: {  	s23 =	simm.s32 $0x1B8B  }
0xa2: {  	_ =	swait.ge [sflag:s23], $0x1  }
0xa3: {  	[sflag:s23] =	ssyncset.done $0x0  }
0xa4: {  	s25 =	simm.s32 $0x1B8E;
	s24 =	sld [smem:$0x3FFE];
	[sflag:s23] =	ssyncadd.s32 $0xFFFFFFFF  }
0xa5: {  	s26 =	simm.s32 $execute0_lowered;
	[smem:$0x3FD2] =	sst s25  }
0xa6: {  	s4 =	sshll.u32 s26, $0x1;
	_ =	strace $0x80000046;
	[dreg:$0x1] =	wrdreg $0xFFFFFFFF  }
0xa7: {  	s28 =	simm.s32 $_size_execute0_lowered;
	s2 =	sadd.s32 s2, s4;
	[dreg:$0x0] =	wrdreg $0x0  }
0xa8: {  	s4 =	sshll.u32 s28, $0x1;
	[dreg:$0x2] =	wrdreg s2  }
0xa9: {  	[dreg:$0x3] =	wrdreg s4  }
0xaa: {  	[dreg:$0x4] =	wrdreg $0xC0  }
0xab: {  	_ =	task [dreg:s6], $0x5FFFF  }
0xac: {  	[dreg:$0x1] =	wrdreg $0xFFFFFFFF  }
0xad: {  	[dreg:$0x0] =	wrdreg $0x60  }
0xae: {  	[dreg:$0x2] =	wrdreg s24  }
0xaf: {  	[dreg:$0x3] =	wrdreg $0x57200  }
0xb0: {  	[dreg:$0x4] =	wrdreg $0x9  }
0xb1: {  	_ =	task.clear_ibuf [dreg:s6], $0x5FFFF;
	_ =	strace $0x90000046  }
0xb2: {  	s29 =	simm.s32 $0x9;
	_ =	strace $0x80000048  }
0xb3: {  	_ =	swait.ge [sflag:s29], $0x1  }
0xb4: {  	[sflag:s29] =	ssyncadd.s32 $0xFFFFFFFF  }
0xb5: {  	_ =	strace $0x90000048  }
0xb6: {  	_ =	sfence  }
0xb7: {  	s30 =	sld [smem:$0x0];
	_ =	sdelay $0x2  }
0xb8: {  	s31 =	sshll.u32 s1, $0xD;
	s1 =	sshrl.u32 s1, $0x2  }
0xb9: {  	s3 =	sand.u32 $0x4000, s31;
	s1 =	sadd.s32 s1, s30  }
0xba: {  	s0 =	sor.u32 s3, s0;
	s1 =	sshll.u32 s1, $0x11  }
0xbb: {  	s0 =	sor.u32 s1, s0  }
0xbc: {  	s0 =	sadd.s32 $0x8F2B, s0  }
0xbd: {  	[sflag:s0] =	ssyncadd.remote.s32 $0x1  }
0xbe: {  	_ =	sfence.sel $0xFFFF  }
0xbf: {  	[dreg:$0x0] =	wrdreg $0xFFFFFFFF;
	(pc) =	sbr.abs _section_cstart, $3  }
0xc0: {  	[dreg:$0x1] =	wrdreg $0xFFFFFFFF  }
0xc1: {  	_ =	task.clear_ibuf [dreg:s6], $0x2FFFF;
	_ =	strace $0x9FFFFFFF  }
0xc2: {  	(tm) =	ssettm $0x7FFFFFFF  }
0xc3: {  	_ =	shalt  }
tec
execute0_lowered:
.L_overlay_start_1:
0x0: {  	(tag) =	ssettag $0x1  }
0x1: {  	s1 =	srdreg.scid;
	s4 =	rddreg [dreg:$0x0]  }
0x2: {  	s0 =	stileid.u32;
	s2 =	rddreg [dreg:$0x1];
	s3 =	simm.s32 $0x0  }
0x3: {  	s10 =	simm.s32 $0x1;
	s11 =	simm.s32 $0x1400;
	s12 =	simm.s32 $0x2800  }
0x4: {  	s13 =	simm.s32 $0x80;
	s14 =	simm.s32 $0x4F20;
	s5 =	sand.u32 $0x1, s1  }
0x5: {  	s6 =	smul.u32 $0x2720, s0;
	s7 =	sshll.u32 s0, $0x1;
	s1 =	rddreg [dreg:$0x2]  }
0x6: {  	[smem:$0x7FF] =	sst s3;
	s15 =	sshll.u32 s0, $0x6;
	s8 =	smul.u32 $0x27800, s5  }
0x7: {  	s7 =	sor.u32 s5, s7;
	_ =	strace $0x80000047;
	s5 =	ssub.s32 $0x2, s5  }
0x8: {  	s15 =	sor.u32 $0x1C01, s15;
	s7 =	smul.u32 $0x280, s7;
	s31 =	sshrl.u32 s5, $0x1  }
0x9: {  	s8 =	sadd.s32 s6, s8;
	s9 =	ssub.s32 s5, s31;
	s6 =	sadd.s32 s6, s2  }
0xa: {  	s8 =	sshrl.u32 s8, $0x3;
	s7 =	sadd.s32 s7, s4;
	s9 =	smax.u32 s9, $0x1  }
0xb: {  	s16 =	sshrl.u32 s6, $0x3;
	s8 =	sadd.s32 s8, s4;
	s4 =	sadd.s32 $0x1A00, s7  }
0xc: {  	v0 =	vimm.f32 $0.0e+00;
	v1 =	vimm.f32 $1.000000000e+00;
	s5 =	sadd.s32 $0x6A00, s7;
	s7 =	sadd.s32 $0x15800, s8;
	s8 =	sadd.s32 $0xBA00, s8  }
.LBB2_1:
0xd: {  	s17 =	simm.s32 $0x0  }
.LBB2_2:
0xe: {  	p0 =	sne.s32 s17, $0x9C40  }
.Ltmp0:
0xf: {  	_ = 	snop;
	(pc) =	sbr.rel @p0 .LBB2_2-.Ltmp0, $3  }
0x10: {  	_ =	sdelay $0x1  }
0x11: {  	s18 =	sshra.s32 s17, $0x2  }
0x12: {  	s17 =	sadd.s32 $0x40, s17;
	[tilespmem:s18+$0x2800] =	vst v0  }
0x13: {  	s17 =	simm.s32 $0x40;
	s18 =	simm.s32 $0x0  }
.LBB2_4:
0x14: {  	p0 =	sne.s32 s17, $0x1FC0;
	[tilespmem:s18+$0x4F20] =	vst v1;
	s18 =	smov.u32 s17;
	s17 =	sadd.s32 $0x40, s17  }
.Ltmp1:
0x15: {  	(pc) =	sbr.rel @p0 .LBB2_4-.Ltmp1, $2  }
0x16: {  	_ =	sdelay $0x2  }
0x17: {  	s18 =	sshra.s32 s18, $0x2  }
0x18: {  	[tilespmem:s18+$0x4F20] =	vst v1;
	s17 =	simm.s32 $0x0  }
0x19: {  	[tilespmem:s17], [sflag:$0x1] =	stream.linear.gather [hbm4b:s4+s17], $0x1400, $0x38;
	[tilespmem:$0x7E40] =	vst v63  }
0x1a: {  	_ =	swait.ge [sflag:s10], $0x1400  }
0x1b: {  	[sflag:s10] =	ssyncset.done $0x0  }
0x1c: {  	[sflag:s10] =	ssyncadd.s32 $0xFFFFEC00  }
0x1d: {  	[tilespmem:s11], [sflag:$0x1] =	stream.linear.gather [hbm4b:s5+s17], $0x1400, $0x38;
	[tilespmem:$0x7E40] =	vst v63  }
0x1e: {  	_ =	swait.ge [sflag:s10], $0x1400  }
0x1f: {  	[sflag:s10] =	ssyncset.done $0x0  }
0x20: {  	[sflag:s10] =	ssyncadd.s32 $0xFFFFEC00  }
0x21: {  	[spmem:s6] =	stream.linear.scatter [tilespmem:s12], [sflag:$0x1], $0x2720, $0x38;
	[tilespmem:$0x7E40] =	vst v63  }
0x22: {  	_ =	swait.ge [sflag:s10], $0x2720  }
0x23: {  	[sflag:s10] =	ssyncset.done $0x0  }
0x24: {  	[sflag:s10] =	ssyncadd.s32 $0xFFFFD8E0  }
0x25: {  	s31 =	simm.s32 $0x0;
	[bflag:$0x0] =	sbarrier.arrive $0xFFFF  }
0x26: {  	[spmem:s2] =	stream.indirect.scatter.add.f32 [tilespmem:s14], [sflag:$0x1], $0x10, s31, s13, $0xb8;
	[tilespmem:$0x7E40] =	vst v63  }
0x27: {  	_ =	swait.ge [sflag:s10], $0x800  }
0x28: {  	s17 =	simm.s32 $0x200;
	[sflag:s10] =	ssyncset.done $0x0  }
.LBB2_6:
0x29: {  	s18 =	sshra.s32 s17, $0x2;
	[sflag:s10] =	ssyncadd.s32 $0xFFFFF800;
	p0 =	sne.s32 s17, $0x4E00  }
0x2a: {  	[spmem:s2] =	stream.indirect.scatter.add.f32 [tilespmem:s14], [sflag:$0x1], $0x10, s18, s13, $0xb8;
	[tilespmem:$0x7E40] =	vst v63  }
.Ltmp2:
0x2b: {  	_ = 	snop;
	(pc) =	sbr.rel @p0 .LBB2_6-.Ltmp2, $4  }
0x2c: {  	_ = 	snop  }
0x2d: {  	s17 =	sadd.s32 $0x200, s17  }
0x2e: {  	_ =	swait.ge [sflag:s10], $0x800  }
0x2f: {  	[sflag:s10] =	ssyncset.done $0x0  }
0x30: {  	[sflag:s10] =	ssyncadd.s32 $0xFFFFF800  }
0x31: {  	[bflag:$0x0] =	sbarrier.arrive $0xFFFF  }
0x32: {  	[hbm:s7], [sflag:s15] =	dma.local [spmem:s16], $0x4E4  }
0x33: {  	_ =	swait.ge [sflag:s10], $0x4E4  }
0x34: {  	[sflag:s10] =	ssyncset.done $0x0  }
0x35: {  	[sflag:s10] =	ssyncadd.s32 $0xFFFFFB1C  }
0x36: {  	[bflag:$0x0] =	sbarrier.arrive $0xFFFF  }
0x37: {  	[spmem:s6] =	stream.linear.scatter [tilespmem:s12], [sflag:$0x1], $0x2720, $0x38;
	[tilespmem:$0x7E40] =	vst v63  }
0x38: {  	_ =	swait.ge [sflag:s10], $0x2720  }
0x39: {  	[sflag:s10] =	ssyncset.done $0x0  }
0x3a: {  	[sflag:s10] =	ssyncadd.s32 $0xFFFFD8E0  }
0x3b: {  	s17 =	simm.s32 $0x1400;
	[bflag:$0x0] =	sbarrier.arrive $0xFFFF  }
0x3c: {  	[spmem:s2] =	stream.indirect.scatter.add.f32 [tilespmem:s14], [sflag:$0x1], $0x10, s17, s13, $0xb8;
	[tilespmem:$0x7E40] =	vst v63  }
0x3d: {  	s17 =	simm.s32 $0x200;
	_ =	swait.ge [sflag:s10], $0x800  }
.LBB2_8:
0x3e: {  	s18 =	sshra.s32 s17, $0x2;
	[sflag:s10] =	ssyncset.done $0x0;
	p0 =	sne.s32 s17, $0x4E00  }
.Ltmp3:
0x3f: {  	s18 =	sadd.s32 $0x1400, s18;
	[sflag:s10] =	ssyncadd.s32 $0xFFFFF800;
	(pc) =	sbr.rel @p0 .LBB2_8-.Ltmp3, $3  }
0x40: {  	[spmem:s2] =	stream.indirect.scatter.add.f32 [tilespmem:s14], [sflag:$0x1], $0x10, s18, s13, $0xb8;
	[tilespmem:$0x7E40] =	vst v63  }
0x41: {  	s17 =	sadd.s32 $0x200, s17;
	_ =	sdelay $0x1  }
0x42: {  	_ =	swait.ge [sflag:s10], $0x800  }
0x43: {  	[sflag:s10] =	ssyncset.done $0x0  }
0x44: {  	s3 =	sadd.s32 $0x1, s3;
	[sflag:s10] =	ssyncadd.s32 $0xFFFFF800  }
0x45: {  	p0 =	sne.s32 s3, s9;
	[bflag:$0x0] =	sbarrier.arrive $0xFFFF  }
0x46: {  	[hbm:s8], [sflag:s15] =	dma.local [spmem:s16], $0x4E4  }
.Ltmp4:
0x47: {  	_ =	swait.ge [sflag:s10], $0x4E4;
	(pc) =	sbr.rel @p0 .LBB2_1-.Ltmp4, $3  }
0x48: {  	[sflag:s10] =	ssyncset.done $0x0  }
0x49: {  	[sflag:s10] =	ssyncadd.s32 $0xFFFFFB1C  }
0x4a: {  	[bflag:$0x0] =	sbarrier.arrive $0xFFFF;
	_ =	sdelay $0x1  }
0x4b: {  	_ =	sfence.sel $0x180000  }
0x4c: {  	[bflag:$0x0] =	sbarrier.arrive $0xFFFF  }
0x4d: {  	p0 =	sne.s32 s0, $0x0;
	_ =	strace $0x90000047  }
0x4e: {  	s0 =	sadd.s32 @!p0 $0x100000, s1;
	[bflag:$0x2] =	sbarrier.arrive $0xFFFF  }
0x4f: {  	[sflag:s0] =	ssyncadd.tile.s32 @!p0 $0x1;
	_ =	shalt  }
.Lfunc_end2:
_tile_overlayer_lowered:
.L_overlay_start_2:
0x50: {  	(tag) =	ssettag $0x2  }
0x51: {  	s0 =	rddreg [dreg:$0x0];
	s2 =	stileid.u32  }
0x52: {  	s1 =	rddreg [dreg:$0x1];
	p0 =	sne.s32 s2, $0x0  }
0x53: {  	s3 =	rddreg [dreg:$0x2];
	[bflag:$0x3] =	sbarrier.arrive $0xFFFF;
	s2 =	simm.s32 @!p0 $0x1C01  }
0x54: {  	[timem:s3], [sflag:s2] =	dma.local @!p0 [hbm:s0], s1  }
0x55: {  	s0 =	simm.s32 @!p0 $0x1  }
0x56: {  	_ =	swait.ge @!p0 [sflag:s0], s1  }
0x57: {  	s1 =	ssub.s32 @!p0 $0x0, s1;
	[sflag:s0] =	ssyncset.done @!p0 $0x0  }
0x58: {  	[sflag:s0] =	ssyncadd.s32 @!p0 s1  }
0x59: {  	[bflag:$0x3] =	sbarrier.arrive $0xFFFF  }
0x5a: {  	_ =	shalt  }

</sc_bundles>
